<compile_context>
chip_gen: v7x
topology: tpu7x:2x2x1
jax: 0.10.2.dev20260603
libtpu: 0.0.44.dev20260713+nightly
codegen_flags: <defaults>
</compile_context>

<pallas_src>
import functools

import jax
import jax.numpy as jnp
from jax import lax
from jax.experimental import pallas as pl
from jax.experimental.pallas import tpu as pltpu
from jax.experimental.pallas import tpu_sc as plsc

D = 64
B_USER = 16384
B_ITEM = 81920
TOTAL = B_USER + B_ITEM

NC = 2
NS = 16
NW = NC * NS

U_PER_W = B_USER // NW
I_PER_W = B_ITEM // NW
CHUNK = 512
U_CHUNKS = U_PER_W // CHUNK
I_CHUNKS = I_PER_W // CHUNK

_sc_mesh = plsc.VectorSubcoreMesh(core_axis_name="c", subcore_axis_name="s")


@functools.partial(
    pl.kernel,
    out_type=jax.ShapeDtypeStruct((TOTAL, D), jnp.float32),
    mesh=_sc_mesh,
    scratch_types=[
        pltpu.VMEM_SHARED((NS, CHUNK), jnp.int32),
        pltpu.SMEM((CHUNK,), jnp.int32),
        pltpu.VMEM((CHUNK, D), jnp.float32),
        pltpu.SemaphoreType.DMA,
    ],
)
def _sc_gather(user_ids, item_ids, user_table, item_table, out, idx_sh, idx_sm,
               rows_v, sem):
    sid = lax.axis_index("s")
    wid = sid * NC + lax.axis_index("c")

    def do_chunk(ids_hbm, ids_base, table, out_base):
        pltpu.sync_copy(ids_hbm.at[pl.ds(ids_base, CHUNK)], idx_sh.at[sid])
        pltpu.sync_copy(idx_sh.at[sid], idx_sm)

        def issue(i, carry):
            row = idx_sm[i]
            pltpu.async_copy(
                table.at[pl.ds(row, 1), :], rows_v.at[pl.ds(i, 1), :], sem
            )
            return carry

        lax.fori_loop(0, CHUNK, issue, 0)
        pltpu.make_async_copy(table.at[pl.ds(0, CHUNK), :], rows_v, sem).wait()
        pltpu.sync_copy(rows_v, out.at[pl.ds(out_base, CHUNK)])

    for c in range(U_CHUNKS):
        base = wid * U_PER_W + c * CHUNK
        do_chunk(user_ids, base, user_table, base)
    for c in range(I_CHUNKS):
        base = wid * I_PER_W + c * CHUNK
        do_chunk(item_ids, base, item_table, B_USER + base)


BLK = 1024
UBLKS = B_USER // BLK
NBLKS = TOTAL // BLK


def _tc_body(x_ref, uw_ref, ub_ref, iw_ref, ib_ref, o_ref):
    pid = pl.program_id(0)
    is_user = pid < UBLKS
    w = jnp.where(is_user, uw_ref[...], iw_ref[...])
    b = jnp.where(is_user, ub_ref[...], ib_ref[...])
    x = x_ref[...]
    o_ref[...] = lax.dot_general(
        x, w, (((1,), (1,)), ((), ())), preferred_element_type=jnp.float32
    ) + b


def _tc_project(x, uw, ub, iw, ib):
    return pl.pallas_call(
        _tc_body,
        grid=(NBLKS,),
        in_specs=[
            pl.BlockSpec((BLK, D), lambda i: (i, 0)),
            pl.BlockSpec((D, D), lambda i: (0, 0)),
            pl.BlockSpec((1, D), lambda i: (0, 0)),
            pl.BlockSpec((D, D), lambda i: (0, 0)),
            pl.BlockSpec((1, D), lambda i: (0, 0)),
        ],
        out_specs=pl.BlockSpec((BLK, D), lambda i: (i, 0)),
        out_shape=jax.ShapeDtypeStruct((TOTAL, D), jnp.float32),
    )(x, uw, ub, iw, ib)


def kernel(user_ids, pos_item_ids, neg_item_ids, user_table, item_table,
           user_W, user_b, item_W, item_b):
    item_ids = jnp.concatenate([pos_item_ids, neg_item_ids])
    gathered = _sc_gather(user_ids, item_ids, user_table, item_table)
    out = _tc_project(gathered, user_W, user_b.reshape(1, D),
                      item_W, item_b.reshape(1, D))
    return out[:B_USER], out[B_USER:2 * B_USER], out[2 * B_USER:]

# --- scband reference (transcript-rebuilt; emitter-appended) ---
"""Pipeline reference for scband-two-tower-73220602462662 (READ-ONLY COPY).

The authoritative reference and input builder live on the scoring server;
editing this copy changes nothing except your own understanding.
"""

import jax, jax.numpy as jnp
import numpy as np

USER_NUM = 1000000
ITEM_NUM = 1000000
EMBED_DIM = 64
PADDING_IDX = 0
B = 16384
NEG = 4

def setup_inputs(seed: int = 0) -> dict:
    key = jax.random.key(seed)
    k1, k2, k3, k4, k5, k6, k7, k8, k9 = jax.random.split(key, 9)
    user_ids = jax.random.randint(k1, (B,), 0, USER_NUM)
    pos_item_ids = jax.random.randint(k2, (B,), 0, ITEM_NUM)
    neg_item_ids = jax.random.randint(k3, (B * NEG,), 0, ITEM_NUM)
    # embedding tables (vocab+1 rows, matching IdEmbedding(item_num+1, ...)); padding row zeroed
    user_table = jax.random.normal(k4, (USER_NUM + 1, EMBED_DIM), dtype=jnp.float32)
    user_table = user_table.at[PADDING_IDX].set(0.0)
    item_table = jax.random.normal(k5, (ITEM_NUM + 1, EMBED_DIM), dtype=jnp.float32)
    item_table = item_table.at[PADDING_IDX].set(0.0)
    # projection linear layers (no feature path, so in_features == embedding_dim)
    lim = 1.0 / np.sqrt(EMBED_DIM)
    user_W = jax.random.uniform(k6, (EMBED_DIM, EMBED_DIM), dtype=jnp.float32, minval=-lim, maxval=lim)
    user_b = jax.random.uniform(k7, (EMBED_DIM,), dtype=jnp.float32, minval=-lim, maxval=lim)
    item_W = jax.random.uniform(k8, (EMBED_DIM, EMBED_DIM), dtype=jnp.float32, minval=-lim, maxval=lim)
    item_b = jax.random.uniform(k9, (EMBED_DIM,), dtype=jnp.float32, minval=-lim, maxval=lim)
    return {
        "user_ids": user_ids,
        "pos_item_ids": pos_item_ids,
        "neg_item_ids": neg_item_ids,
        "user_table": user_table,
        "item_table": item_table,
        "user_W": user_W,
        "user_b": user_b,
        "item_W": item_W,
        "item_b": item_b,
    }

def reference(user_ids, pos_item_ids, neg_item_ids, user_table, item_table, user_W, user_b, item_W, item_b):
    # UserEmbedding: id lookup -> projection
    user_emb = jnp.take(user_table, user_ids, axis=0) @ user_W.T + user_b
    # ItemEmbedding (shared weights for pos and neg items)
    pos_item_emb = jnp.take(item_table, pos_item_ids, axis=0) @ item_W.T + item_b
    neg_item_emb = jnp.take(item_table, neg_item_ids, axis=0) @ item_W.T + item_b
    return (user_emb, pos_item_emb, neg_item_emb)

if __name__ == "__main__":
    import jax
    _d = setup_inputs()
    print(jax.jit(kernel)(*tuple(_d.values())))

</pallas_src>

<mosaic_0001>
#map = affine_map<(d0, d1) -> (0)>
#map1 = affine_map<(d0, d1) -> (0, 0)>
module attributes {stable_mosaic.version = 14 : i64} {
  func.func @_sc_gather(%arg0: i32, %arg1: i32, %arg2: memref<16384xi32, #tpu.memory_space<hbm>>, %arg3: memref<81920xi32, #tpu.memory_space<hbm>>, %arg4: memref<1000001x64xf32, #tpu.memory_space<hbm>>, %arg5: memref<1000001x64xf32, #tpu.memory_space<hbm>>, %arg6: memref<98304x64xf32, #tpu.memory_space<hbm>>, %arg7: memref<16x512xi32, #tpu.memory_space<vmem_shared>>, %arg8: memref<512xi32, #tpu.memory_space<smem>>, %arg9: memref<512x64xf32, #tpu.memory_space<vmem>>, %arg10: memref<!tpu.dma_semaphore, #tpu.memory_space<semaphore_mem>>) attributes {dimension_semantics = [#tpu.dimension_semantics<core_parallel>, #tpu.dimension_semantics<subcore_parallel>], iteration_bounds = array<i64: 2, 16>, scalar_prefetch = 0 : i64, scratch_operands = 4 : i64, tpu.core_type = #tpu.core_type<sc_vector_subcore>, window_params = [{transform_indices = #map}, {transform_indices = #map}, {transform_indices = #map1}, {transform_indices = #map1}, {transform_indices = #map1}]} {
    %mul3A = arith.constant 2 : i32
    %mul3A_0 = arith.muli %arg1, %mul3A : i32
    %add3A = arith.addi %mul3A_0, %arg0 : i32
    %mul3A_1 = arith.constant 512 : i32
    %mul3A_2 = arith.muli %add3A, %mul3A_1 : i32
    %add3A_3 = arith.constant 0 : i32
    %add3A_4 = arith.addi %mul3A_2, %add3A_3 : i32
    "tpu.region"() ({
      %run_scoped3A = tpu.sem_alloc : memref<!tpu.dma_semaphore, #tpu.memory_space<semaphore_mem>>
      %dma_start3A = arith.constant 0 : i32
      %dma_start3A_105 = tpu.memref_slice %arg7[%arg1, %dma_start3A] : memref<16x512xi32, #tpu.memory_space<vmem_shared>> -> memref<1x512xi32, #tpu.memory_space<vmem_shared>>
      %dma_start3A_106 = tpu.memref_squeeze %dma_start3A_105 : memref<1x512xi32, #tpu.memory_space<vmem_shared>> -> memref<512xi32, #tpu.memory_space<vmem_shared>>
      %dma_start3A_107 = tpu.memref_slice %arg2[%add3A_4] : memref<16384xi32, #tpu.memory_space<hbm>> -> memref<512xi32, #tpu.memory_space<hbm>>
      tpu.enqueue_dma source(%dma_start3A_107 : memref<512xi32, #tpu.memory_space<hbm>>) target(%dma_start3A_106 : memref<512xi32, #tpu.memory_space<vmem_shared>>) target_semaphore(%run_scoped3A : memref<!tpu.dma_semaphore, #tpu.memory_space<semaphore_mem>>)
      %dma_wait3A_108 = arith.constant 0 : i32
      %dma_wait3A_109 = tpu.memref_slice %arg7[%arg1, %dma_wait3A_108] : memref<16x512xi32, #tpu.memory_space<vmem_shared>> -> memref<1x512xi32, #tpu.memory_space<vmem_shared>>
      %dma_wait3A_110 = tpu.memref_squeeze %dma_wait3A_109 : memref<1x512xi32, #tpu.memory_space<vmem_shared>> -> memref<512xi32, #tpu.memory_space<vmem_shared>>
      %dma_wait3A_111 = tpu.memref_slice %arg2[%add3A_4] : memref<16384xi32, #tpu.memory_space<hbm>> -> memref<512xi32, #tpu.memory_space<hbm>>
      tpu.wait_dma2 semaphore(%run_scoped3A : memref<!tpu.dma_semaphore, #tpu.memory_space<semaphore_mem>>) src(%dma_wait3A_111 : memref<512xi32, #tpu.memory_space<hbm>>) dst(%dma_wait3A_110 : memref<512xi32, #tpu.memory_space<vmem_shared>>)
      tpu.yield
    }) : () -> ()
    "tpu.region"() ({
      %run_scoped3A = tpu.sem_alloc : memref<!tpu.dma_semaphore, #tpu.memory_space<semaphore_mem>>
      %dma_start3A = arith.constant 0 : i32
      %dma_start3A_105 = tpu.memref_slice %arg7[%arg1, %dma_start3A] : memref<16x512xi32, #tpu.memory_space<vmem_shared>> -> memref<1x512xi32, #tpu.memory_space<vmem_shared>>
      %dma_start3A_106 = tpu.memref_squeeze %dma_start3A_105 : memref<1x512xi32, #tpu.memory_space<vmem_shared>> -> memref<512xi32, #tpu.memory_space<vmem_shared>>
      tpu.enqueue_dma source(%dma_start3A_106 : memref<512xi32, #tpu.memory_space<vmem_shared>>) target(%arg8 : memref<512xi32, #tpu.memory_space<smem>>) target_semaphore(%run_scoped3A : memref<!tpu.dma_semaphore, #tpu.memory_space<semaphore_mem>>)
      %dma_wait3A_107 = arith.constant 0 : i32
      %dma_wait3A_108 = tpu.memref_slice %arg7[%arg1, %dma_wait3A_107] : memref<16x512xi32, #tpu.memory_space<vmem_shared>> -> memref<1x512xi32, #tpu.memory_space<vmem_shared>>
      %dma_wait3A_109 = tpu.memref_squeeze %dma_wait3A_108 : memref<1x512xi32, #tpu.memory_space<vmem_shared>> -> memref<512xi32, #tpu.memory_space<vmem_shared>>
      tpu.wait_dma2 semaphore(%run_scoped3A : memref<!tpu.dma_semaphore, #tpu.memory_space<semaphore_mem>>) src(%dma_wait3A_109 : memref<512xi32, #tpu.memory_space<vmem_shared>>) dst(%arg8 : memref<512xi32, #tpu.memory_space<smem>>)
      tpu.yield
    }) : () -> ()
    %scan3A = arith.constant 0 : i32
    %scan3A_5 = arith.constant 0 : i32
    %scan3A_6 = arith.constant 512 : i32
    %scan3A_7 = arith.addi %scan3A_5, %scan3A_6 : i32
    %scan3A_8 = arith.constant 1 : i32
    scf.for %scan3A_105 = %scan3A_5 to %scan3A_7 step %scan3A_8  : i32 {
      %get3A = arith.index_cast %scan3A_105 : i32 to index
      %get3A_106 = memref.load %arg8[%get3A] : memref<512xi32, #tpu.memory_space<smem>>
      %dma_start3A = arith.constant 0 : i32
      %dma_start3A_107 = tpu.memref_slice %arg9[%scan3A_105, %dma_start3A] : memref<512x64xf32, #tpu.memory_space<vmem>> -> memref<1x64xf32, #tpu.memory_space<vmem>>
      %dma_start3A_108 = arith.constant 0 : i32
      %dma_start3A_109 = tpu.memref_slice %arg4[%get3A_106, %dma_start3A_108] : memref<1000001x64xf32, #tpu.memory_space<hbm>> -> memref<1x64xf32, #tpu.memory_space<hbm>>
      %dma_start3A_110 = arith.constant 0 : i32
      %dma_start3A_111 = tpu.memref_slice %arg9[%scan3A_105, %dma_start3A_110] : memref<512x64xf32, #tpu.memory_space<vmem>> -> memref<1x64xf32, #tpu.memory_space<vmem>>
      %dma_start3A_112 = arith.constant 0 : i32
      %dma_start3A_113 = tpu.memref_slice %arg4[%get3A_106, %dma_start3A_112] : memref<1000001x64xf32, #tpu.memory_space<hbm>> -> memref<1x64xf32, #tpu.memory_space<hbm>>
      tpu.enqueue_dma source(%dma_start3A_113 : memref<1x64xf32, #tpu.memory_space<hbm>>) target(%dma_start3A_111 : memref<1x64xf32, #tpu.memory_space<vmem>>) target_semaphore(%arg10 : memref<!tpu.dma_semaphore, #tpu.memory_space<semaphore_mem>>)
    }
    %scan3A_9 = arith.constant 512 : i32
    %dma_wait3A = arith.constant 0 : i32
    %dma_wait3A_10 = arith.constant 0 : i32
    %dma_wait3A_11 = tpu.memref_slice %arg4[%dma_wait3A, %dma_wait3A_10] : memref<1000001x64xf32, #tpu.memory_space<hbm>> -> memref<512x64xf32, #tpu.memory_space<hbm>>
    %dma_wait3A_12 = arith.constant 0 : i32
    %dma_wait3A_13 = arith.constant 0 : i32
    %dma_wait3A_14 = tpu.memref_slice %arg4[%dma_wait3A_12, %dma_wait3A_13] : memref<1000001x64xf32, #tpu.memory_space<hbm>> -> memref<512x64xf32, #tpu.memory_space<hbm>>
    tpu.wait_dma2 semaphore(%arg10 : memref<!tpu.dma_semaphore, #tpu.memory_space<semaphore_mem>>) src(%dma_wait3A_14 : memref<512x64xf32, #tpu.memory_space<hbm>>) dst(%arg9 : memref<512x64xf32, #tpu.memory_space<vmem>>)
    "tpu.region"() ({
      %run_scoped3A = tpu.sem_alloc : memref<!tpu.dma_semaphore, #tpu.memory_space<semaphore_mem>>
      %dma_start3A = arith.constant 0 : i32
      %dma_start3A_105 = tpu.memref_slice %arg6[%add3A_4, %dma_start3A] : memref<98304x64xf32, #tpu.memory_space<hbm>> -> memref<512x64xf32, #tpu.memory_space<hbm>>
      %dma_start3A_106 = arith.constant 0 : i32
      %dma_start3A_107 = tpu.memref_slice %arg6[%add3A_4, %dma_start3A_106] : memref<98304x64xf32, #tpu.memory_space<hbm>> -> memref<512x64xf32, #tpu.memory_space<hbm>>
      tpu.enqueue_dma source(%arg9 : memref<512x64xf32, #tpu.memory_space<vmem>>) target(%dma_start3A_107 : memref<512x64xf32, #tpu.memory_space<hbm>>) target_semaphore(%run_scoped3A : memref<!tpu.dma_semaphore, #tpu.memory_space<semaphore_mem>>)
      %dma_wait3A_108 = arith.constant 0 : i32
      %dma_wait3A_109 = tpu.memref_slice %arg6[%add3A_4, %dma_wait3A_108] : memref<98304x64xf32, #tpu.memory_space<hbm>> -> memref<512x64xf32, #tpu.memory_space<hbm>>
      %dma_wait3A_110 = arith.constant 0 : i32
      %dma_wait3A_111 = tpu.memref_slice %arg6[%add3A_4, %dma_wait3A_110] : memref<98304x64xf32, #tpu.memory_space<hbm>> -> memref<512x64xf32, #tpu.memory_space<hbm>>
      tpu.wait_dma2 semaphore(%run_scoped3A : memref<!tpu.dma_semaphore, #tpu.memory_space<semaphore_mem>>) src(%arg9 : memref<512x64xf32, #tpu.memory_space<vmem>>) dst(%dma_wait3A_111 : memref<512x64xf32, #tpu.memory_space<hbm>>)
      tpu.yield
    }) : () -> ()
    %mul3A_15 = arith.constant 2560 : i32
    %mul3A_16 = arith.muli %add3A, %mul3A_15 : i32
    %add3A_17 = arith.constant 0 : i32
    %add3A_18 = arith.addi %mul3A_16, %add3A_17 : i32
    %add3A_19 = arith.constant 16384 : i32
    %add3A_20 = arith.addi %add3A_19, %add3A_18 : i32
    "tpu.region"() ({
      %run_scoped3A = tpu.sem_alloc : memref<!tpu.dma_semaphore, #tpu.memory_space<semaphore_mem>>
      %dma_start3A = arith.constant 0 : i32
      %dma_start3A_105 = tpu.memref_slice %arg7[%arg1, %dma_start3A] : memref<16x512xi32, #tpu.memory_space<vmem_shared>> -> memref<1x512xi32, #tpu.memory_space<vmem_shared>>
      %dma_start3A_106 = tpu.memref_squeeze %dma_start3A_105 : memref<1x512xi32, #tpu.memory_space<vmem_shared>> -> memref<512xi32, #tpu.memory_space<vmem_shared>>
      %dma_start3A_107 = tpu.memref_slice %arg3[%add3A_18] : memref<81920xi32, #tpu.memory_space<hbm>> -> memref<512xi32, #tpu.memory_space<hbm>>
      tpu.enqueue_dma source(%dma_start3A_107 : memref<512xi32, #tpu.memory_space<hbm>>) target(%dma_start3A_106 : memref<512xi32, #tpu.memory_space<vmem_shared>>) target_semaphore(%run_scoped3A : memref<!tpu.dma_semaphore, #tpu.memory_space<semaphore_mem>>)
      %dma_wait3A_108 = arith.constant 0 : i32
      %dma_wait3A_109 = tpu.memref_slice %arg7[%arg1, %dma_wait3A_108] : memref<16x512xi32, #tpu.memory_space<vmem_shared>> -> memref<1x512xi32, #tpu.memory_space<vmem_shared>>
      %dma_wait3A_110 = tpu.memref_squeeze %dma_wait3A_109 : memref<1x512xi32, #tpu.memory_space<vmem_shared>> -> memref<512xi32, #tpu.memory_space<vmem_shared>>
      %dma_wait3A_111 = tpu.memref_slice %arg3[%add3A_18] : memref<81920xi32, #tpu.memory_space<hbm>> -> memref<512xi32, #tpu.memory_space<hbm>>
      tpu.wait_dma2 semaphore(%run_scoped3A : memref<!tpu.dma_semaphore, #tpu.memory_space<semaphore_mem>>) src(%dma_wait3A_111 : memref<512xi32, #tpu.memory_space<hbm>>) dst(%dma_wait3A_110 : memref<512xi32, #tpu.memory_space<vmem_shared>>)
      tpu.yield
    }) : () -> ()
    "tpu.region"() ({
      %run_scoped3A = tpu.sem_alloc : memref<!tpu.dma_semaphore, #tpu.memory_space<semaphore_mem>>
      %dma_start3A = arith.constant 0 : i32
      %dma_start3A_105 = tpu.memref_slice %arg7[%arg1, %dma_start3A] : memref<16x512xi32, #tpu.memory_space<vmem_shared>> -> memref<1x512xi32, #tpu.memory_space<vmem_shared>>
      %dma_start3A_106 = tpu.memref_squeeze %dma_start3A_105 : memref<1x512xi32, #tpu.memory_space<vmem_shared>> -> memref<512xi32, #tpu.memory_space<vmem_shared>>
      tpu.enqueue_dma source(%dma_start3A_106 : memref<512xi32, #tpu.memory_space<vmem_shared>>) target(%arg8 : memref<512xi32, #tpu.memory_space<smem>>) target_semaphore(%run_scoped3A : memref<!tpu.dma_semaphore, #tpu.memory_space<semaphore_mem>>)
      %dma_wait3A_107 = arith.constant 0 : i32
      %dma_wait3A_108 = tpu.memref_slice %arg7[%arg1, %dma_wait3A_107] : memref<16x512xi32, #tpu.memory_space<vmem_shared>> -> memref<1x512xi32, #tpu.memory_space<vmem_shared>>
      %dma_wait3A_109 = tpu.memref_squeeze %dma_wait3A_108 : memref<1x512xi32, #tpu.memory_space<vmem_shared>> -> memref<512xi32, #tpu.memory_space<vmem_shared>>
      tpu.wait_dma2 semaphore(%run_scoped3A : memref<!tpu.dma_semaphore, #tpu.memory_space<semaphore_mem>>) src(%dma_wait3A_109 : memref<512xi32, #tpu.memory_space<vmem_shared>>) dst(%arg8 : memref<512xi32, #tpu.memory_space<smem>>)
      tpu.yield
    }) : () -> ()
    %scan3A_21 = arith.constant 0 : i32
    %scan3A_22 = arith.constant 0 : i32
    %scan3A_23 = arith.constant 512 : i32
    %scan3A_24 = arith.addi %scan3A_22, %scan3A_23 : i32
    %scan3A_25 = arith.constant 1 : i32
    scf.for %scan3A_105 = %scan3A_22 to %scan3A_24 step %scan3A_25  : i32 {
      %get3A = arith.index_cast %scan3A_105 : i32 to index
      %get3A_106 = memref.load %arg8[%get3A] : memref<512xi32, #tpu.memory_space<smem>>
      %dma_start3A = arith.constant 0 : i32
      %dma_start3A_107 = tpu.memref_slice %arg9[%scan3A_105, %dma_start3A] : memref<512x64xf32, #tpu.memory_space<vmem>> -> memref<1x64xf32, #tpu.memory_space<vmem>>
      %dma_start3A_108 = arith.constant 0 : i32
      %dma_start3A_109 = tpu.memref_slice %arg5[%get3A_106, %dma_start3A_108] : memref<1000001x64xf32, #tpu.memory_space<hbm>> -> memref<1x64xf32, #tpu.memory_space<hbm>>
      %dma_start3A_110 = arith.constant 0 : i32
      %dma_start3A_111 = tpu.memref_slice %arg9[%scan3A_105, %dma_start3A_110] : memref<512x64xf32, #tpu.memory_space<vmem>> -> memref<1x64xf32, #tpu.memory_space<vmem>>
      %dma_start3A_112 = arith.constant 0 : i32
      %dma_start3A_113 = tpu.memref_slice %arg5[%get3A_106, %dma_start3A_112] : memref<1000001x64xf32, #tpu.memory_space<hbm>> -> memref<1x64xf32, #tpu.memory_space<hbm>>
      tpu.enqueue_dma source(%dma_start3A_113 : memref<1x64xf32, #tpu.memory_space<hbm>>) target(%dma_start3A_111 : memref<1x64xf32, #tpu.memory_space<vmem>>) target_semaphore(%arg10 : memref<!tpu.dma_semaphore, #tpu.memory_space<semaphore_mem>>)
    }
    %scan3A_26 = arith.constant 512 : i32
    %dma_wait3A_27 = arith.constant 0 : i32
    %dma_wait3A_28 = arith.constant 0 : i32
    %dma_wait3A_29 = tpu.memref_slice %arg5[%dma_wait3A_27, %dma_wait3A_28] : memref<1000001x64xf32, #tpu.memory_space<hbm>> -> memref<512x64xf32, #tpu.memory_space<hbm>>
    %dma_wait3A_30 = arith.constant 0 : i32
    %dma_wait3A_31 = arith.constant 0 : i32
    %dma_wait3A_32 = tpu.memref_slice %arg5[%dma_wait3A_30, %dma_wait3A_31] : memref<1000001x64xf32, #tpu.memory_space<hbm>> -> memref<512x64xf32, #tpu.memory_space<hbm>>
    tpu.wait_dma2 semaphore(%arg10 : memref<!tpu.dma_semaphore, #tpu.memory_space<semaphore_mem>>) src(%dma_wait3A_32 : memref<512x64xf32, #tpu.memory_space<hbm>>) dst(%arg9 : memref<512x64xf32, #tpu.memory_space<vmem>>)
    "tpu.region"() ({
      %run_scoped3A = tpu.sem_alloc : memref<!tpu.dma_semaphore, #tpu.memory_space<semaphore_mem>>
      %dma_start3A = arith.constant 0 : i32
      %dma_start3A_105 = tpu.memref_slice %arg6[%add3A_20, %dma_start3A] : memref<98304x64xf32, #tpu.memory_space<hbm>> -> memref<512x64xf32, #tpu.memory_space<hbm>>
      %dma_start3A_106 = arith.constant 0 : i32
      %dma_start3A_107 = tpu.memref_slice %arg6[%add3A_20, %dma_start3A_106] : memref<98304x64xf32, #tpu.memory_space<hbm>> -> memref<512x64xf32, #tpu.memory_space<hbm>>
      tpu.enqueue_dma source(%arg9 : memref<512x64xf32, #tpu.memory_space<vmem>>) target(%dma_start3A_107 : memref<512x64xf32, #tpu.memory_space<hbm>>) target_semaphore(%run_scoped3A : memref<!tpu.dma_semaphore, #tpu.memory_space<semaphore_mem>>)
      %dma_wait3A_108 = arith.constant 0 : i32
      %dma_wait3A_109 = tpu.memref_slice %arg6[%add3A_20, %dma_wait3A_108] : memref<98304x64xf32, #tpu.memory_space<hbm>> -> memref<512x64xf32, #tpu.memory_space<hbm>>
      %dma_wait3A_110 = arith.constant 0 : i32
      %dma_wait3A_111 = tpu.memref_slice %arg6[%add3A_20, %dma_wait3A_110] : memref<98304x64xf32, #tpu.memory_space<hbm>> -> memref<512x64xf32, #tpu.memory_space<hbm>>
      tpu.wait_dma2 semaphore(%run_scoped3A : memref<!tpu.dma_semaphore, #tpu.memory_space<semaphore_mem>>) src(%arg9 : memref<512x64xf32, #tpu.memory_space<vmem>>) dst(%dma_wait3A_111 : memref<512x64xf32, #tpu.memory_space<hbm>>)
      tpu.yield
    }) : () -> ()
    %mul3A_33 = arith.constant 2560 : i32
    %mul3A_34 = arith.muli %add3A, %mul3A_33 : i32
    %add3A_35 = arith.constant 512 : i32
    %add3A_36 = arith.addi %mul3A_34, %add3A_35 : i32
    %add3A_37 = arith.constant 16384 : i32
    %add3A_38 = arith.addi %add3A_37, %add3A_36 : i32
    "tpu.region"() ({
      %run_scoped3A = tpu.sem_alloc : memref<!tpu.dma_semaphore, #tpu.memory_space<semaphore_mem>>
      %dma_start3A = arith.constant 0 : i32
      %dma_start3A_105 = tpu.memref_slice %arg7[%arg1, %dma_start3A] : memref<16x512xi32, #tpu.memory_space<vmem_shared>> -> memref<1x512xi32, #tpu.memory_space<vmem_shared>>
      %dma_start3A_106 = tpu.memref_squeeze %dma_start3A_105 : memref<1x512xi32, #tpu.memory_space<vmem_shared>> -> memref<512xi32, #tpu.memory_space<vmem_shared>>
      %dma_start3A_107 = tpu.memref_slice %arg3[%add3A_36] : memref<81920xi32, #tpu.memory_space<hbm>> -> memref<512xi32, #tpu.memory_space<hbm>>
      tpu.enqueue_dma source(%dma_start3A_107 : memref<512xi32, #tpu.memory_space<hbm>>) target(%dma_start3A_106 : memref<512xi32, #tpu.memory_space<vmem_shared>>) target_semaphore(%run_scoped3A : memref<!tpu.dma_semaphore, #tpu.memory_space<semaphore_mem>>)
      %dma_wait3A_108 = arith.constant 0 : i32
      %dma_wait3A_109 = tpu.memref_slice %arg7[%arg1, %dma_wait3A_108] : memref<16x512xi32, #tpu.memory_space<vmem_shared>> -> memref<1x512xi32, #tpu.memory_space<vmem_shared>>
      %dma_wait3A_110 = tpu.memref_squeeze %dma_wait3A_109 : memref<1x512xi32, #tpu.memory_space<vmem_shared>> -> memref<512xi32, #tpu.memory_space<vmem_shared>>
      %dma_wait3A_111 = tpu.memref_slice %arg3[%add3A_36] : memref<81920xi32, #tpu.memory_space<hbm>> -> memref<512xi32, #tpu.memory_space<hbm>>
      tpu.wait_dma2 semaphore(%run_scoped3A : memref<!tpu.dma_semaphore, #tpu.memory_space<semaphore_mem>>) src(%dma_wait3A_111 : memref<512xi32, #tpu.memory_space<hbm>>) dst(%dma_wait3A_110 : memref<512xi32, #tpu.memory_space<vmem_shared>>)
      tpu.yield
    }) : () -> ()
    "tpu.region"() ({
      %run_scoped3A = tpu.sem_alloc : memref<!tpu.dma_semaphore, #tpu.memory_space<semaphore_mem>>
      %dma_start3A = arith.constant 0 : i32
      %dma_start3A_105 = tpu.memref_slice %arg7[%arg1, %dma_start3A] : memref<16x512xi32, #tpu.memory_space<vmem_shared>> -> memref<1x512xi32, #tpu.memory_space<vmem_shared>>
      %dma_start3A_106 = tpu.memref_squeeze %dma_start3A_105 : memref<1x512xi32, #tpu.memory_space<vmem_shared>> -> memref<512xi32, #tpu.memory_space<vmem_shared>>
      tpu.enqueue_dma source(%dma_start3A_106 : memref<512xi32, #tpu.memory_space<vmem_shared>>) target(%arg8 : memref<512xi32, #tpu.memory_space<smem>>) target_semaphore(%run_scoped3A : memref<!tpu.dma_semaphore, #tpu.memory_space<semaphore_mem>>)
      %dma_wait3A_107 = arith.constant 0 : i32
      %dma_wait3A_108 = tpu.memref_slice %arg7[%arg1, %dma_wait3A_107] : memref<16x512xi32, #tpu.memory_space<vmem_shared>> -> memref<1x512xi32, #tpu.memory_space<vmem_shared>>
      %dma_wait3A_109 = tpu.memref_squeeze %dma_wait3A_108 : memref<1x512xi32, #tpu.memory_space<vmem_shared>> -> memref<512xi32, #tpu.memory_space<vmem_shared>>
      tpu.wait_dma2 semaphore(%run_scoped3A : memref<!tpu.dma_semaphore, #tpu.memory_space<semaphore_mem>>) src(%dma_wait3A_109 : memref<512xi32, #tpu.memory_space<vmem_shared>>) dst(%arg8 : memref<512xi32, #tpu.memory_space<smem>>)
      tpu.yield
    }) : () -> ()
    %scan3A_39 = arith.constant 0 : i32
    %scan3A_40 = arith.constant 0 : i32
    %scan3A_41 = arith.constant 512 : i32
    %scan3A_42 = arith.addi %scan3A_40, %scan3A_41 : i32
    %scan3A_43 = arith.constant 1 : i32
    scf.for %scan3A_105 = %scan3A_40 to %scan3A_42 step %scan3A_43  : i32 {
      %get3A = arith.index_cast %scan3A_105 : i32 to index
      %get3A_106 = memref.load %arg8[%get3A] : memref<512xi32, #tpu.memory_space<smem>>
      %dma_start3A = arith.constant 0 : i32
      %dma_start3A_107 = tpu.memref_slice %arg9[%scan3A_105, %dma_start3A] : memref<512x64xf32, #tpu.memory_space<vmem>> -> memref<1x64xf32, #tpu.memory_space<vmem>>
      %dma_start3A_108 = arith.constant 0 : i32
      %dma_start3A_109 = tpu.memref_slice %arg5[%get3A_106, %dma_start3A_108] : memref<1000001x64xf32, #tpu.memory_space<hbm>> -> memref<1x64xf32, #tpu.memory_space<hbm>>
      %dma_start3A_110 = arith.constant 0 : i32
      %dma_start3A_111 = tpu.memref_slice %arg9[%scan3A_105, %dma_start3A_110] : memref<512x64xf32, #tpu.memory_space<vmem>> -> memref<1x64xf32, #tpu.memory_space<vmem>>
      %dma_start3A_112 = arith.constant 0 : i32
      %dma_start3A_113 = tpu.memref_slice %arg5[%get3A_106, %dma_start3A_112] : memref<1000001x64xf32, #tpu.memory_space<hbm>> -> memref<1x64xf32, #tpu.memory_space<hbm>>
      tpu.enqueue_dma source(%dma_start3A_113 : memref<1x64xf32, #tpu.memory_space<hbm>>) target(%dma_start3A_111 : memref<1x64xf32, #tpu.memory_space<vmem>>) target_semaphore(%arg10 : memref<!tpu.dma_semaphore, #tpu.memory_space<semaphore_mem>>)
    }
    %scan3A_44 = arith.constant 512 : i32
    %dma_wait3A_45 = arith.constant 0 : i32
    %dma_wait3A_46 = arith.constant 0 : i32
    %dma_wait3A_47 = tpu.memref_slice %arg5[%dma_wait3A_45, %dma_wait3A_46] : memref<1000001x64xf32, #tpu.memory_space<hbm>> -> memref<512x64xf32, #tpu.memory_space<hbm>>
    %dma_wait3A_48 = arith.constant 0 : i32
    %dma_wait3A_49 = arith.constant 0 : i32
    %dma_wait3A_50 = tpu.memref_slice %arg5[%dma_wait3A_48, %dma_wait3A_49] : memref<1000001x64xf32, #tpu.memory_space<hbm>> -> memref<512x64xf32, #tpu.memory_space<hbm>>
    tpu.wait_dma2 semaphore(%arg10 : memref<!tpu.dma_semaphore, #tpu.memory_space<semaphore_mem>>) src(%dma_wait3A_50 : memref<512x64xf32, #tpu.memory_space<hbm>>) dst(%arg9 : memref<512x64xf32, #tpu.memory_space<vmem>>)
    "tpu.region"() ({
      %run_scoped3A = tpu.sem_alloc : memref<!tpu.dma_semaphore, #tpu.memory_space<semaphore_mem>>
      %dma_start3A = arith.constant 0 : i32
      %dma_start3A_105 = tpu.memref_slice %arg6[%add3A_38, %dma_start3A] : memref<98304x64xf32, #tpu.memory_space<hbm>> -> memref<512x64xf32, #tpu.memory_space<hbm>>
      %dma_start3A_106 = arith.constant 0 : i32
      %dma_start3A_107 = tpu.memref_slice %arg6[%add3A_38, %dma_start3A_106] : memref<98304x64xf32, #tpu.memory_space<hbm>> -> memref<512x64xf32, #tpu.memory_space<hbm>>
      tpu.enqueue_dma source(%arg9 : memref<512x64xf32, #tpu.memory_space<vmem>>) target(%dma_start3A_107 : memref<512x64xf32, #tpu.memory_space<hbm>>) target_semaphore(%run_scoped3A : memref<!tpu.dma_semaphore, #tpu.memory_space<semaphore_mem>>)
      %dma_wait3A_108 = arith.constant 0 : i32
      %dma_wait3A_109 = tpu.memref_slice %arg6[%add3A_38, %dma_wait3A_108] : memref<98304x64xf32, #tpu.memory_space<hbm>> -> memref<512x64xf32, #tpu.memory_space<hbm>>
      %dma_wait3A_110 = arith.constant 0 : i32
      %dma_wait3A_111 = tpu.memref_slice %arg6[%add3A_38, %dma_wait3A_110] : memref<98304x64xf32, #tpu.memory_space<hbm>> -> memref<512x64xf32, #tpu.memory_space<hbm>>
      tpu.wait_dma2 semaphore(%run_scoped3A : memref<!tpu.dma_semaphore, #tpu.memory_space<semaphore_mem>>) src(%arg9 : memref<512x64xf32, #tpu.memory_space<vmem>>) dst(%dma_wait3A_111 : memref<512x64xf32, #tpu.memory_space<hbm>>)
      tpu.yield
    }) : () -> ()
    %mul3A_51 = arith.constant 2560 : i32
    %mul3A_52 = arith.muli %add3A, %mul3A_51 : i32
    %add3A_53 = arith.constant 1024 : i32
    %add3A_54 = arith.addi %mul3A_52, %add3A_53 : i32
    %add3A_55 = arith.constant 16384 : i32
    %add3A_56 = arith.addi %add3A_55, %add3A_54 : i32
    "tpu.region"() ({
      %run_scoped3A = tpu.sem_alloc : memref<!tpu.dma_semaphore, #tpu.memory_space<semaphore_mem>>
      %dma_start3A = arith.constant 0 : i32
      %dma_start3A_105 = tpu.memref_slice %arg7[%arg1, %dma_start3A] : memref<16x512xi32, #tpu.memory_space<vmem_shared>> -> memref<1x512xi32, #tpu.memory_space<vmem_shared>>
      %dma_start3A_106 = tpu.memref_squeeze %dma_start3A_105 : memref<1x512xi32, #tpu.memory_space<vmem_shared>> -> memref<512xi32, #tpu.memory_space<vmem_shared>>
      %dma_start3A_107 = tpu.memref_slice %arg3[%add3A_54] : memref<81920xi32, #tpu.memory_space<hbm>> -> memref<512xi32, #tpu.memory_space<hbm>>
      tpu.enqueue_dma source(%dma_start3A_107 : memref<512xi32, #tpu.memory_space<hbm>>) target(%dma_start3A_106 : memref<512xi32, #tpu.memory_space<vmem_shared>>) target_semaphore(%run_scoped3A : memref<!tpu.dma_semaphore, #tpu.memory_space<semaphore_mem>>)
      %dma_wait3A_108 = arith.constant 0 : i32
      %dma_wait3A_109 = tpu.memref_slice %arg7[%arg1, %dma_wait3A_108] : memref<16x512xi32, #tpu.memory_space<vmem_shared>> -> memref<1x512xi32, #tpu.memory_space<vmem_shared>>
      %dma_wait3A_110 = tpu.memref_squeeze %dma_wait3A_109 : memref<1x512xi32, #tpu.memory_space<vmem_shared>> -> memref<512xi32, #tpu.memory_space<vmem_shared>>
      %dma_wait3A_111 = tpu.memref_slice %arg3[%add3A_54] : memref<81920xi32, #tpu.memory_space<hbm>> -> memref<512xi32, #tpu.memory_space<hbm>>
      tpu.wait_dma2 semaphore(%run_scoped3A : memref<!tpu.dma_semaphore, #tpu.memory_space<semaphore_mem>>) src(%dma_wait3A_111 : memref<512xi32, #tpu.memory_space<hbm>>) dst(%dma_wait3A_110 : memref<512xi32, #tpu.memory_space<vmem_shared>>)
      tpu.yield
    }) : () -> ()
    "tpu.region"() ({
      %run_scoped3A = tpu.sem_alloc : memref<!tpu.dma_semaphore, #tpu.memory_space<semaphore_mem>>
      %dma_start3A = arith.constant 0 : i32
      %dma_start3A_105 = tpu.memref_slice %arg7[%arg1, %dma_start3A] : memref<16x512xi32, #tpu.memory_space<vmem_shared>> -> memref<1x512xi32, #tpu.memory_space<vmem_shared>>
      %dma_start3A_106 = tpu.memref_squeeze %dma_start3A_105 : memref<1x512xi32, #tpu.memory_space<vmem_shared>> -> memref<512xi32, #tpu.memory_space<vmem_shared>>
      tpu.enqueue_dma source(%dma_start3A_106 : memref<512xi32, #tpu.memory_space<vmem_shared>>) target(%arg8 : memref<512xi32, #tpu.memory_space<smem>>) target_semaphore(%run_scoped3A : memref<!tpu.dma_semaphore, #tpu.memory_space<semaphore_mem>>)
      %dma_wait3A_107 = arith.constant 0 : i32
      %dma_wait3A_108 = tpu.memref_slice %arg7[%arg1, %dma_wait3A_107] : memref<16x512xi32, #tpu.memory_space<vmem_shared>> -> memref<1x512xi32, #tpu.memory_space<vmem_shared>>
      %dma_wait3A_109 = tpu.memref_squeeze %dma_wait3A_108 : memref<1x512xi32, #tpu.memory_space<vmem_shared>> -> memref<512xi32, #tpu.memory_space<vmem_shared>>
      tpu.wait_dma2 semaphore(%run_scoped3A : memref<!tpu.dma_semaphore, #tpu.memory_space<semaphore_mem>>) src(%dma_wait3A_109 : memref<512xi32, #tpu.memory_space<vmem_shared>>) dst(%arg8 : memref<512xi32, #tpu.memory_space<smem>>)
      tpu.yield
    }) : () -> ()
    %scan3A_57 = arith.constant 0 : i32
    %scan3A_58 = arith.constant 0 : i32
    %scan3A_59 = arith.constant 512 : i32
    %scan3A_60 = arith.addi %scan3A_58, %scan3A_59 : i32
    %scan3A_61 = arith.constant 1 : i32
    scf.for %scan3A_105 = %scan3A_58 to %scan3A_60 step %scan3A_61  : i32 {
      %get3A = arith.index_cast %scan3A_105 : i32 to index
      %get3A_106 = memref.load %arg8[%get3A] : memref<512xi32, #tpu.memory_space<smem>>
      %dma_start3A = arith.constant 0 : i32
      %dma_start3A_107 = tpu.memref_slice %arg9[%scan3A_105, %dma_start3A] : memref<512x64xf32, #tpu.memory_space<vmem>> -> memref<1x64xf32, #tpu.memory_space<vmem>>
      %dma_start3A_108 = arith.constant 0 : i32
      %dma_start3A_109 = tpu.memref_slice %arg5[%get3A_106, %dma_start3A_108] : memref<1000001x64xf32, #tpu.memory_space<hbm>> -> memref<1x64xf32, #tpu.memory_space<hbm>>
      %dma_start3A_110 = arith.constant 0 : i32
      %dma_start3A_111 = tpu.memref_slice %arg9[%scan3A_105, %dma_start3A_110] : memref<512x64xf32, #tpu.memory_space<vmem>> -> memref<1x64xf32, #tpu.memory_space<vmem>>
      %dma_start3A_112 = arith.constant 0 : i32
      %dma_start3A_113 = tpu.memref_slice %arg5[%get3A_106, %dma_start3A_112] : memref<1000001x64xf32, #tpu.memory_space<hbm>> -> memref<1x64xf32, #tpu.memory_space<hbm>>
      tpu.enqueue_dma source(%dma_start3A_113 : memref<1x64xf32, #tpu.memory_space<hbm>>) target(%dma_start3A_111 : memref<1x64xf32, #tpu.memory_space<vmem>>) target_semaphore(%arg10 : memref<!tpu.dma_semaphore, #tpu.memory_space<semaphore_mem>>)
    }
    %scan3A_62 = arith.constant 512 : i32
    %dma_wait3A_63 = arith.constant 0 : i32
    %dma_wait3A_64 = arith.constant 0 : i32
    %dma_wait3A_65 = tpu.memref_slice %arg5[%dma_wait3A_63, %dma_wait3A_64] : memref<1000001x64xf32, #tpu.memory_space<hbm>> -> memref<512x64xf32, #tpu.memory_space<hbm>>
    %dma_wait3A_66 = arith.constant 0 : i32
    %dma_wait3A_67 = arith.constant 0 : i32
    %dma_wait3A_68 = tpu.memref_slice %arg5[%dma_wait3A_66, %dma_wait3A_67] : memref<1000001x64xf32, #tpu.memory_space<hbm>> -> memref<512x64xf32, #tpu.memory_space<hbm>>
    tpu.wait_dma2 semaphore(%arg10 : memref<!tpu.dma_semaphore, #tpu.memory_space<semaphore_mem>>) src(%dma_wait3A_68 : memref<512x64xf32, #tpu.memory_space<hbm>>) dst(%arg9 : memref<512x64xf32, #tpu.memory_space<vmem>>)
    "tpu.region"() ({
      %run_scoped3A = tpu.sem_alloc : memref<!tpu.dma_semaphore, #tpu.memory_space<semaphore_mem>>
      %dma_start3A = arith.constant 0 : i32
      %dma_start3A_105 = tpu.memref_slice %arg6[%add3A_56, %dma_start3A] : memref<98304x64xf32, #tpu.memory_space<hbm>> -> memref<512x64xf32, #tpu.memory_space<hbm>>
      %dma_start3A_106 = arith.constant 0 : i32
      %dma_start3A_107 = tpu.memref_slice %arg6[%add3A_56, %dma_start3A_106] : memref<98304x64xf32, #tpu.memory_space<hbm>> -> memref<512x64xf32, #tpu.memory_space<hbm>>
      tpu.enqueue_dma source(%arg9 : memref<512x64xf32, #tpu.memory_space<vmem>>) target(%dma_start3A_107 : memref<512x64xf32, #tpu.memory_space<hbm>>) target_semaphore(%run_scoped3A : memref<!tpu.dma_semaphore, #tpu.memory_space<semaphore_mem>>)
      %dma_wait3A_108 = arith.constant 0 : i32
      %dma_wait3A_109 = tpu.memref_slice %arg6[%add3A_56, %dma_wait3A_108] : memref<98304x64xf32, #tpu.memory_space<hbm>> -> memref<512x64xf32, #tpu.memory_space<hbm>>
      %dma_wait3A_110 = arith.constant 0 : i32
      %dma_wait3A_111 = tpu.memref_slice %arg6[%add3A_56, %dma_wait3A_110] : memref<98304x64xf32, #tpu.memory_space<hbm>> -> memref<512x64xf32, #tpu.memory_space<hbm>>
      tpu.wait_dma2 semaphore(%run_scoped3A : memref<!tpu.dma_semaphore, #tpu.memory_space<semaphore_mem>>) src(%arg9 : memref<512x64xf32, #tpu.memory_space<vmem>>) dst(%dma_wait3A_111 : memref<512x64xf32, #tpu.memory_space<hbm>>)
      tpu.yield
    }) : () -> ()
    %mul3A_69 = arith.constant 2560 : i32
    %mul3A_70 = arith.muli %add3A, %mul3A_69 : i32
    %add3A_71 = arith.constant 1536 : i32
    %add3A_72 = arith.addi %mul3A_70, %add3A_71 : i32
    %add3A_73 = arith.constant 16384 : i32
    %add3A_74 = arith.addi %add3A_73, %add3A_72 : i32
    "tpu.region"() ({
      %run_scoped3A = tpu.sem_alloc : memref<!tpu.dma_semaphore, #tpu.memory_space<semaphore_mem>>
      %dma_start3A = arith.constant 0 : i32
      %dma_start3A_105 = tpu.memref_slice %arg7[%arg1, %dma_start3A] : memref<16x512xi32, #tpu.memory_space<vmem_shared>> -> memref<1x512xi32, #tpu.memory_space<vmem_shared>>
      %dma_start3A_106 = tpu.memref_squeeze %dma_start3A_105 : memref<1x512xi32, #tpu.memory_space<vmem_shared>> -> memref<512xi32, #tpu.memory_space<vmem_shared>>
      %dma_start3A_107 = tpu.memref_slice %arg3[%add3A_72] : memref<81920xi32, #tpu.memory_space<hbm>> -> memref<512xi32, #tpu.memory_space<hbm>>
      tpu.enqueue_dma source(%dma_start3A_107 : memref<512xi32, #tpu.memory_space<hbm>>) target(%dma_start3A_106 : memref<512xi32, #tpu.memory_space<vmem_shared>>) target_semaphore(%run_scoped3A : memref<!tpu.dma_semaphore, #tpu.memory_space<semaphore_mem>>)
      %dma_wait3A_108 = arith.constant 0 : i32
      %dma_wait3A_109 = tpu.memref_slice %arg7[%arg1, %dma_wait3A_108] : memref<16x512xi32, #tpu.memory_space<vmem_shared>> -> memref<1x512xi32, #tpu.memory_space<vmem_shared>>
      %dma_wait3A_110 = tpu.memref_squeeze %dma_wait3A_109 : memref<1x512xi32, #tpu.memory_space<vmem_shared>> -> memref<512xi32, #tpu.memory_space<vmem_shared>>
      %dma_wait3A_111 = tpu.memref_slice %arg3[%add3A_72] : memref<81920xi32, #tpu.memory_space<hbm>> -> memref<512xi32, #tpu.memory_space<hbm>>
      tpu.wait_dma2 semaphore(%run_scoped3A : memref<!tpu.dma_semaphore, #tpu.memory_space<semaphore_mem>>) src(%dma_wait3A_111 : memref<512xi32, #tpu.memory_space<hbm>>) dst(%dma_wait3A_110 : memref<512xi32, #tpu.memory_space<vmem_shared>>)
      tpu.yield
    }) : () -> ()
    "tpu.region"() ({
      %run_scoped3A = tpu.sem_alloc : memref<!tpu.dma_semaphore, #tpu.memory_space<semaphore_mem>>
      %dma_start3A = arith.constant 0 : i32
      %dma_start3A_105 = tpu.memref_slice %arg7[%arg1, %dma_start3A] : memref<16x512xi32, #tpu.memory_space<vmem_shared>> -> memref<1x512xi32, #tpu.memory_space<vmem_shared>>
      %dma_start3A_106 = tpu.memref_squeeze %dma_start3A_105 : memref<1x512xi32, #tpu.memory_space<vmem_shared>> -> memref<512xi32, #tpu.memory_space<vmem_shared>>
      tpu.enqueue_dma source(%dma_start3A_106 : memref<512xi32, #tpu.memory_space<vmem_shared>>) target(%arg8 : memref<512xi32, #tpu.memory_space<smem>>) target_semaphore(%run_scoped3A : memref<!tpu.dma_semaphore, #tpu.memory_space<semaphore_mem>>)
      %dma_wait3A_107 = arith.constant 0 : i32
      %dma_wait3A_108 = tpu.memref_slice %arg7[%arg1, %dma_wait3A_107] : memref<16x512xi32, #tpu.memory_space<vmem_shared>> -> memref<1x512xi32, #tpu.memory_space<vmem_shared>>
      %dma_wait3A_109 = tpu.memref_squeeze %dma_wait3A_108 : memref<1x512xi32, #tpu.memory_space<vmem_shared>> -> memref<512xi32, #tpu.memory_space<vmem_shared>>
      tpu.wait_dma2 semaphore(%run_scoped3A : memref<!tpu.dma_semaphore, #tpu.memory_space<semaphore_mem>>) src(%dma_wait3A_109 : memref<512xi32, #tpu.memory_space<vmem_shared>>) dst(%arg8 : memref<512xi32, #tpu.memory_space<smem>>)
      tpu.yield
    }) : () -> ()
    %scan3A_75 = arith.constant 0 : i32
    %scan3A_76 = arith.constant 0 : i32
    %scan3A_77 = arith.constant 512 : i32
    %scan3A_78 = arith.addi %scan3A_76, %scan3A_77 : i32
    %scan3A_79 = arith.constant 1 : i32
    scf.for %scan3A_105 = %scan3A_76 to %scan3A_78 step %scan3A_79  : i32 {
      %get3A = arith.index_cast %scan3A_105 : i32 to index
      %get3A_106 = memref.load %arg8[%get3A] : memref<512xi32, #tpu.memory_space<smem>>
      %dma_start3A = arith.constant 0 : i32
      %dma_start3A_107 = tpu.memref_slice %arg9[%scan3A_105, %dma_start3A] : memref<512x64xf32, #tpu.memory_space<vmem>> -> memref<1x64xf32, #tpu.memory_space<vmem>>
      %dma_start3A_108 = arith.constant 0 : i32
      %dma_start3A_109 = tpu.memref_slice %arg5[%get3A_106, %dma_start3A_108] : memref<1000001x64xf32, #tpu.memory_space<hbm>> -> memref<1x64xf32, #tpu.memory_space<hbm>>
      %dma_start3A_110 = arith.constant 0 : i32
      %dma_start3A_111 = tpu.memref_slice %arg9[%scan3A_105, %dma_start3A_110] : memref<512x64xf32, #tpu.memory_space<vmem>> -> memref<1x64xf32, #tpu.memory_space<vmem>>
      %dma_start3A_112 = arith.constant 0 : i32
      %dma_start3A_113 = tpu.memref_slice %arg5[%get3A_106, %dma_start3A_112] : memref<1000001x64xf32, #tpu.memory_space<hbm>> -> memref<1x64xf32, #tpu.memory_space<hbm>>
      tpu.enqueue_dma source(%dma_start3A_113 : memref<1x64xf32, #tpu.memory_space<hbm>>) target(%dma_start3A_111 : memref<1x64xf32, #tpu.memory_space<vmem>>) target_semaphore(%arg10 : memref<!tpu.dma_semaphore, #tpu.memory_space<semaphore_mem>>)
    }
    %scan3A_80 = arith.constant 512 : i32
    %dma_wait3A_81 = arith.constant 0 : i32
    %dma_wait3A_82 = arith.constant 0 : i32
    %dma_wait3A_83 = tpu.memref_slice %arg5[%dma_wait3A_81, %dma_wait3A_82] : memref<1000001x64xf32, #tpu.memory_space<hbm>> -> memref<512x64xf32, #tpu.memory_space<hbm>>
    %dma_wait3A_84 = arith.constant 0 : i32
    %dma_wait3A_85 = arith.constant 0 : i32
    %dma_wait3A_86 = tpu.memref_slice %arg5[%dma_wait3A_84, %dma_wait3A_85] : memref<1000001x64xf32, #tpu.memory_space<hbm>> -> memref<512x64xf32, #tpu.memory_space<hbm>>
    tpu.wait_dma2 semaphore(%arg10 : memref<!tpu.dma_semaphore, #tpu.memory_space<semaphore_mem>>) src(%dma_wait3A_86 : memref<512x64xf32, #tpu.memory_space<hbm>>) dst(%arg9 : memref<512x64xf32, #tpu.memory_space<vmem>>)
    "tpu.region"() ({
      %run_scoped3A = tpu.sem_alloc : memref<!tpu.dma_semaphore, #tpu.memory_space<semaphore_mem>>
      %dma_start3A = arith.constant 0 : i32
      %dma_start3A_105 = tpu.memref_slice %arg6[%add3A_74, %dma_start3A] : memref<98304x64xf32, #tpu.memory_space<hbm>> -> memref<512x64xf32, #tpu.memory_space<hbm>>
      %dma_start3A_106 = arith.constant 0 : i32
      %dma_start3A_107 = tpu.memref_slice %arg6[%add3A_74, %dma_start3A_106] : memref<98304x64xf32, #tpu.memory_space<hbm>> -> memref<512x64xf32, #tpu.memory_space<hbm>>
      tpu.enqueue_dma source(%arg9 : memref<512x64xf32, #tpu.memory_space<vmem>>) target(%dma_start3A_107 : memref<512x64xf32, #tpu.memory_space<hbm>>) target_semaphore(%run_scoped3A : memref<!tpu.dma_semaphore, #tpu.memory_space<semaphore_mem>>)
      %dma_wait3A_108 = arith.constant 0 : i32
      %dma_wait3A_109 = tpu.memref_slice %arg6[%add3A_74, %dma_wait3A_108] : memref<98304x64xf32, #tpu.memory_space<hbm>> -> memref<512x64xf32, #tpu.memory_space<hbm>>
      %dma_wait3A_110 = arith.constant 0 : i32
      %dma_wait3A_111 = tpu.memref_slice %arg6[%add3A_74, %dma_wait3A_110] : memref<98304x64xf32, #tpu.memory_space<hbm>> -> memref<512x64xf32, #tpu.memory_space<hbm>>
      tpu.wait_dma2 semaphore(%run_scoped3A : memref<!tpu.dma_semaphore, #tpu.memory_space<semaphore_mem>>) src(%arg9 : memref<512x64xf32, #tpu.memory_space<vmem>>) dst(%dma_wait3A_111 : memref<512x64xf32, #tpu.memory_space<hbm>>)
      tpu.yield
    }) : () -> ()
    %mul3A_87 = arith.constant 2560 : i32
    %mul3A_88 = arith.muli %add3A, %mul3A_87 : i32
    %add3A_89 = arith.constant 2048 : i32
    %add3A_90 = arith.addi %mul3A_88, %add3A_89 : i32
    %add3A_91 = arith.constant 16384 : i32
    %add3A_92 = arith.addi %add3A_91, %add3A_90 : i32
    "tpu.region"() ({
      %run_scoped3A = tpu.sem_alloc : memref<!tpu.dma_semaphore, #tpu.memory_space<semaphore_mem>>
      %dma_start3A = arith.constant 0 : i32
      %dma_start3A_105 = tpu.memref_slice %arg7[%arg1, %dma_start3A] : memref<16x512xi32, #tpu.memory_space<vmem_shared>> -> memref<1x512xi32, #tpu.memory_space<vmem_shared>>
      %dma_start3A_106 = tpu.memref_squeeze %dma_start3A_105 : memref<1x512xi32, #tpu.memory_space<vmem_shared>> -> memref<512xi32, #tpu.memory_space<vmem_shared>>
      %dma_start3A_107 = tpu.memref_slice %arg3[%add3A_90] : memref<81920xi32, #tpu.memory_space<hbm>> -> memref<512xi32, #tpu.memory_space<hbm>>
      tpu.enqueue_dma source(%dma_start3A_107 : memref<512xi32, #tpu.memory_space<hbm>>) target(%dma_start3A_106 : memref<512xi32, #tpu.memory_space<vmem_shared>>) target_semaphore(%run_scoped3A : memref<!tpu.dma_semaphore, #tpu.memory_space<semaphore_mem>>)
      %dma_wait3A_108 = arith.constant 0 : i32
      %dma_wait3A_109 = tpu.memref_slice %arg7[%arg1, %dma_wait3A_108] : memref<16x512xi32, #tpu.memory_space<vmem_shared>> -> memref<1x512xi32, #tpu.memory_space<vmem_shared>>
      %dma_wait3A_110 = tpu.memref_squeeze %dma_wait3A_109 : memref<1x512xi32, #tpu.memory_space<vmem_shared>> -> memref<512xi32, #tpu.memory_space<vmem_shared>>
      %dma_wait3A_111 = tpu.memref_slice %arg3[%add3A_90] : memref<81920xi32, #tpu.memory_space<hbm>> -> memref<512xi32, #tpu.memory_space<hbm>>
      tpu.wait_dma2 semaphore(%run_scoped3A : memref<!tpu.dma_semaphore, #tpu.memory_space<semaphore_mem>>) src(%dma_wait3A_111 : memref<512xi32, #tpu.memory_space<hbm>>) dst(%dma_wait3A_110 : memref<512xi32, #tpu.memory_space<vmem_shared>>)
      tpu.yield
    }) : () -> ()
    "tpu.region"() ({
      %run_scoped3A = tpu.sem_alloc : memref<!tpu.dma_semaphore, #tpu.memory_space<semaphore_mem>>
      %dma_start3A = arith.constant 0 : i32
      %dma_start3A_105 = tpu.memref_slice %arg7[%arg1, %dma_start3A] : memref<16x512xi32, #tpu.memory_space<vmem_shared>> -> memref<1x512xi32, #tpu.memory_space<vmem_shared>>
      %dma_start3A_106 = tpu.memref_squeeze %dma_start3A_105 : memref<1x512xi32, #tpu.memory_space<vmem_shared>> -> memref<512xi32, #tpu.memory_space<vmem_shared>>
      tpu.enqueue_dma source(%dma_start3A_106 : memref<512xi32, #tpu.memory_space<vmem_shared>>) target(%arg8 : memref<512xi32, #tpu.memory_space<smem>>) target_semaphore(%run_scoped3A : memref<!tpu.dma_semaphore, #tpu.memory_space<semaphore_mem>>)
      %dma_wait3A_107 = arith.constant 0 : i32
      %dma_wait3A_108 = tpu.memref_slice %arg7[%arg1, %dma_wait3A_107] : memref<16x512xi32, #tpu.memory_space<vmem_shared>> -> memref<1x512xi32, #tpu.memory_space<vmem_shared>>
      %dma_wait3A_109 = tpu.memref_squeeze %dma_wait3A_108 : memref<1x512xi32, #tpu.memory_space<vmem_shared>> -> memref<512xi32, #tpu.memory_space<vmem_shared>>
      tpu.wait_dma2 semaphore(%run_scoped3A : memref<!tpu.dma_semaphore, #tpu.memory_space<semaphore_mem>>) src(%dma_wait3A_109 : memref<512xi32, #tpu.memory_space<vmem_shared>>) dst(%arg8 : memref<512xi32, #tpu.memory_space<smem>>)
      tpu.yield
    }) : () -> ()
    %scan3A_93 = arith.constant 0 : i32
    %scan3A_94 = arith.constant 0 : i32
    %scan3A_95 = arith.constant 512 : i32
    %scan3A_96 = arith.addi %scan3A_94, %scan3A_95 : i32
    %scan3A_97 = arith.constant 1 : i32
    scf.for %scan3A_105 = %scan3A_94 to %scan3A_96 step %scan3A_97  : i32 {
      %get3A = arith.index_cast %scan3A_105 : i32 to index
      %get3A_106 = memref.load %arg8[%get3A] : memref<512xi32, #tpu.memory_space<smem>>
      %dma_start3A = arith.constant 0 : i32
      %dma_start3A_107 = tpu.memref_slice %arg9[%scan3A_105, %dma_start3A] : memref<512x64xf32, #tpu.memory_space<vmem>> -> memref<1x64xf32, #tpu.memory_space<vmem>>
      %dma_start3A_108 = arith.constant 0 : i32
      %dma_start3A_109 = tpu.memref_slice %arg5[%get3A_106, %dma_start3A_108] : memref<1000001x64xf32, #tpu.memory_space<hbm>> -> memref<1x64xf32, #tpu.memory_space<hbm>>
      %dma_start3A_110 = arith.constant 0 : i32
      %dma_start3A_111 = tpu.memref_slice %arg9[%scan3A_105, %dma_start3A_110] : memref<512x64xf32, #tpu.memory_space<vmem>> -> memref<1x64xf32, #tpu.memory_space<vmem>>
      %dma_start3A_112 = arith.constant 0 : i32
      %dma_start3A_113 = tpu.memref_slice %arg5[%get3A_106, %dma_start3A_112] : memref<1000001x64xf32, #tpu.memory_space<hbm>> -> memref<1x64xf32, #tpu.memory_space<hbm>>
      tpu.enqueue_dma source(%dma_start3A_113 : memref<1x64xf32, #tpu.memory_space<hbm>>) target(%dma_start3A_111 : memref<1x64xf32, #tpu.memory_space<vmem>>) target_semaphore(%arg10 : memref<!tpu.dma_semaphore, #tpu.memory_space<semaphore_mem>>)
    }
    %scan3A_98 = arith.constant 512 : i32
    %dma_wait3A_99 = arith.constant 0 : i32
    %dma_wait3A_100 = arith.constant 0 : i32
    %dma_wait3A_101 = tpu.memref_slice %arg5[%dma_wait3A_99, %dma_wait3A_100] : memref<1000001x64xf32, #tpu.memory_space<hbm>> -> memref<512x64xf32, #tpu.memory_space<hbm>>
    %dma_wait3A_102 = arith.constant 0 : i32
    %dma_wait3A_103 = arith.constant 0 : i32
    %dma_wait3A_104 = tpu.memref_slice %arg5[%dma_wait3A_102, %dma_wait3A_103] : memref<1000001x64xf32, #tpu.memory_space<hbm>> -> memref<512x64xf32, #tpu.memory_space<hbm>>
    tpu.wait_dma2 semaphore(%arg10 : memref<!tpu.dma_semaphore, #tpu.memory_space<semaphore_mem>>) src(%dma_wait3A_104 : memref<512x64xf32, #tpu.memory_space<hbm>>) dst(%arg9 : memref<512x64xf32, #tpu.memory_space<vmem>>)
    "tpu.region"() ({
      %run_scoped3A = tpu.sem_alloc : memref<!tpu.dma_semaphore, #tpu.memory_space<semaphore_mem>>
      %dma_start3A = arith.constant 0 : i32
      %dma_start3A_105 = tpu.memref_slice %arg6[%add3A_92, %dma_start3A] : memref<98304x64xf32, #tpu.memory_space<hbm>> -> memref<512x64xf32, #tpu.memory_space<hbm>>
      %dma_start3A_106 = arith.constant 0 : i32
      %dma_start3A_107 = tpu.memref_slice %arg6[%add3A_92, %dma_start3A_106] : memref<98304x64xf32, #tpu.memory_space<hbm>> -> memref<512x64xf32, #tpu.memory_space<hbm>>
      tpu.enqueue_dma source(%arg9 : memref<512x64xf32, #tpu.memory_space<vmem>>) target(%dma_start3A_107 : memref<512x64xf32, #tpu.memory_space<hbm>>) target_semaphore(%run_scoped3A : memref<!tpu.dma_semaphore, #tpu.memory_space<semaphore_mem>>)
      %dma_wait3A_108 = arith.constant 0 : i32
      %dma_wait3A_109 = tpu.memref_slice %arg6[%add3A_92, %dma_wait3A_108] : memref<98304x64xf32, #tpu.memory_space<hbm>> -> memref<512x64xf32, #tpu.memory_space<hbm>>
      %dma_wait3A_110 = arith.constant 0 : i32
      %dma_wait3A_111 = tpu.memref_slice %arg6[%add3A_92, %dma_wait3A_110] : memref<98304x64xf32, #tpu.memory_space<hbm>> -> memref<512x64xf32, #tpu.memory_space<hbm>>
      tpu.wait_dma2 semaphore(%run_scoped3A : memref<!tpu.dma_semaphore, #tpu.memory_space<semaphore_mem>>) src(%arg9 : memref<512x64xf32, #tpu.memory_space<vmem>>) dst(%dma_wait3A_111 : memref<512x64xf32, #tpu.memory_space<hbm>>)
      tpu.yield
    }) : () -> ()
    return
  }
}

module attributes {stable_mosaic.version = 14 : i64} {
  func.func @_tc_body(%arg0: i32, %arg1: memref<1024x64xf32, #tpu.memory_space<vmem>>, %arg2: memref<64x64xf32, #tpu.memory_space<vmem>>, %arg3: memref<1x64xf32, #tpu.memory_space<vmem>>, %arg4: memref<64x64xf32, #tpu.memory_space<vmem>>, %arg5: memref<1x64xf32, #tpu.memory_space<vmem>>, %arg6: memref<1024x64xf32, #tpu.memory_space<vmem>>) attributes {dimension_semantics = [#tpu.dimension_semantics<arbitrary>], iteration_bounds = array<i64: 96>, scalar_prefetch = 0 : i64, scratch_operands = 0 : i64, tpu.core_type = #tpu.core_type<tc>, window_params = [{transform_indices = @transform_0, window_bounds = array<i64: 1024, 64>}, {pipeline_mode = #tpu.pipeline_mode<synchronous>, transform_indices = @transform_1, window_bounds = array<i64: 64, 64>}, {pipeline_mode = #tpu.pipeline_mode<synchronous>, transform_indices = @transform_2, window_bounds = array<i64: 1, 64>}, {pipeline_mode = #tpu.pipeline_mode<synchronous>, transform_indices = @transform_3, window_bounds = array<i64: 64, 64>}, {pipeline_mode = #tpu.pipeline_mode<synchronous>, transform_indices = @transform_4, window_bounds = array<i64: 1, 64>}, {transform_indices = @transform_5, window_bounds = array<i64: 1024, 64>}]} {
    %lt3A = arith.constant 16 : i32
    %lt3A_0 = arith.cmpi slt, %arg0, %lt3A : i32
    %get3A = arith.constant 0 : index
    %get3A_1 = arith.constant 0 : index
    %get3A_2 = vector.load %arg2[%get3A, %get3A_1] : memref<64x64xf32, #tpu.memory_space<vmem>>, vector<64x64xf32>
    %get3A_3 = arith.constant 0 : index
    %get3A_4 = arith.constant 0 : index
    %get3A_5 = vector.load %arg4[%get3A_3, %get3A_4] : memref<64x64xf32, #tpu.memory_space<vmem>>, vector<64x64xf32>
    %select_n3A = arith.select %lt3A_0, %get3A_2, %get3A_5 : vector<64x64xf32>
    %get3A_6 = arith.constant 0 : index
    %get3A_7 = arith.constant 0 : index
    %get3A_8 = vector.load %arg3[%get3A_6, %get3A_7] : memref<1x64xf32, #tpu.memory_space<vmem>>, vector<1x64xf32>
    %get3A_9 = arith.constant 0 : index
    %get3A_10 = arith.constant 0 : index
    %get3A_11 = vector.load %arg5[%get3A_9, %get3A_10] : memref<1x64xf32, #tpu.memory_space<vmem>>, vector<1x64xf32>
    %select_n3A_12 = arith.select %lt3A_0, %get3A_8, %get3A_11 : vector<1x64xf32>
    %get3A_13 = arith.constant 0 : index
    %get3A_14 = arith.constant 0 : index
    %get3A_15 = vector.load %arg1[%get3A_13, %get3A_14] : memref<1024x64xf32, #tpu.memory_space<vmem>>, vector<1024x64xf32>
    %dot_general3A = arith.constant dense<0.000000e+00> : vector<1024x64xf32>
    %dot_general3A_16 = tpu.matmul %get3A_15, %select_n3A, %dot_general3A {dimension_numbers = #tpu.dot_dimension_numbers<[1], [1], [0], [0], [0, 0, 1, 0], [], []>, transpose_lhs_hint = false} : vector<1024x64xf32>, vector<64x64xf32>, vector<1024x64xf32> -> vector<1024x64xf32>
    %add3A = vector.broadcast %select_n3A_12 : vector<1x64xf32> to vector<1024x64xf32>
    %add3A_17 = arith.addf %dot_general3A_16, %add3A : vector<1024x64xf32>
    %swap3A = arith.constant 0 : index
    %swap3A_18 = arith.constant 0 : index
    %swap3A_19 = vector.load %arg6[%swap3A, %swap3A_18] : memref<1024x64xf32, #tpu.memory_space<vmem>>, vector<1024x64xf32>
    tpu.vector_store %arg6[%swap3A, %swap3A_18], %add3A_17 {strides = array<i32>} : memref<1024x64xf32, #tpu.memory_space<vmem>>, vector<1024x64xf32>,
    return
  }
  func.func @transform_0(%arg0: i32) -> (i32, i32) {
    %c0_i32 = arith.constant 0 : i32
    %c0_i32_0 = arith.constant 0 : i32
    return %arg0, %c0_i32 : i32, i32
  }
  func.func @transform_1(%arg0: i32) -> (i32, i32) {
    %c0_i32 = arith.constant 0 : i32
    %c0_i32_0 = arith.constant 0 : i32
    %c0_i32_1 = arith.constant 0 : i32
    return %c0_i32, %c0_i32_0 : i32, i32
  }
  func.func @transform_2(%arg0: i32) -> (i32, i32) {
    %c0_i32 = arith.constant 0 : i32
    %c0_i32_0 = arith.constant 0 : i32
    %c0_i32_1 = arith.constant 0 : i32
    return %c0_i32, %c0_i32_0 : i32, i32
  }
  func.func @transform_3(%arg0: i32) -> (i32, i32) {
    %c0_i32 = arith.constant 0 : i32
    %c0_i32_0 = arith.constant 0 : i32
    %c0_i32_1 = arith.constant 0 : i32
    return %c0_i32, %c0_i32_0 : i32, i32
  }
  func.func @transform_4(%arg0: i32) -> (i32, i32) {
    %c0_i32 = arith.constant 0 : i32
    %c0_i32_0 = arith.constant 0 : i32
    %c0_i32_1 = arith.constant 0 : i32
    return %c0_i32, %c0_i32_0 : i32, i32
  }
  func.func @transform_5(%arg0: i32) -> (i32, i32) {
    %c0_i32 = arith.constant 0 : i32
    %c0_i32_0 = arith.constant 0 : i32
    return %arg0, %c0_i32 : i32, i32
  }
}

</mosaic_0001>

<sc_bundles>
// kernel: kernel.4.cloned.1.call-start
scs
__scs_entry_jumppad:
0x0: {  	(pc) =	sbr.rel $0x88, $3  }
0x1: {  	(tag) =	ssettag $0x0;
	lr =	simm.s32 $0x1  }
0x2: {  	[smem:$0x3F98] =	sst lr;
	_ =	strace $0xD0000000  }
0x3: {  	_ = 	snop  }
0x4: {  	_ = 	snop  }
0x5: {  	_ = 	snop  }
0x6: {  	_ = 	snop  }
0x7: {  	_ = 	snop  }
__scs_overlays_trampoline_lowered:
0x8: {  	[smem:$0x3FA7] =	sst s0  }
0x9: {  	[smem:$0x3FA8] =	sst s1  }
0xa: {  	[smem:$0x3FA9] =	sst s2  }
0xb: {  	[smem:$0x3FAA] =	sst s3  }
0xc: {  	[smem:$0x3FAB] =	sst s4  }
0xd: {  	[smem:$0x3FAC] =	sst s5  }
0xe: {  	[smem:$0x3FAD] =	sst s6  }
0xf: {  	[smem:$0x3FAE] =	sst s7  }
0x10: {  	[smem:$0x3FAF] =	sst s8  }
0x11: {  	[smem:$0x3FB0] =	sst s9;
	s0 =	simm.s32 @!p0 $0x0  }
0x12: {  	s1 =	sld [smem:$0x3F96];
	s0 =	simm.s32 @p0 $0x1  }
0x13: {  	[smem:$0x3FB1] =	sst s0;
	s0 =	simm.s32 @!p1 $0x0  }
0x14: {  	s2 =	sld [smem:$0x3F95];
	s0 =	simm.s32 @p1 $0x1  }
0x15: {  	[smem:$0x3FB2] =	sst s0;
	s0 =	simm.s32 @!p2 $0x0  }
0x16: {  	s3 =	sld [smem:$0x3FDB];
	s0 =	simm.s32 @p2 $0x1  }
0x17: {  	s4 =	simm.s32 $0x1BF5;
	[smem:$0x3FB4] =	sst s0  }
0x18: {  	s0 =	sld [smem:$0x3F97];
	_ =	swait.ge [sflag:s4], $0x0  }
0x19: {  	s7 =	sld [smem:$0x3F98]  }
0x1a: {  	s8 =	sadd.s32 $0xFFFFE003, lr  }
0x1b: {  	s9 =	sadd.s32 $0xFFFFFEF7, lr;
	s5 =	simm.s32 $0xFFFFFFFF;
	p2 =	slt.u32 s8, $0xFFFFF086  }
0x1c: {  	p1 =	slt.u32 s9, $0xF7A;
	s5 =	simm.s32 @!p2 $0x0  }
0x1d: {  	s5 =	simm.s32 @p1 $0x1;
	p0 =	seq.s32 s7, s2  }
0x1e: {  	s7 =	smul.u32 @!p0 $0xF7A, s2;
	p2 =	seq.s32 @!p0 s5, $0x0  }
0x1f: {  	s9 =	smul.u32 $0xF7A, s1;
	s8 =	simm.s32 @!p0 $0x1BF5;
	p2 =	por !p2, p0  }
0x20: {  	[sflag:s8] =	ssyncset.s32 @!p0 $0xFFFFF086;
	s6 =	sadd.s32 @!p0 s3, s7;
	s7 =	simm.s32 @!p0 $0x108  }
0x21: {  	s3 =	sadd.s32 s3, s9;
	s6 =	sadd.s32 @!p0 $0x88, s6;
	s7 =	simm.s32 @p2 $0x1082  }
0x22: {  	[simem:s7], [sflag:s8] =	dma.local @!p0 [hbm:s6], $0xF7A  }
0x23: {  	s9 =	sor.u32 $0xD0000000, s2;
	s6 =	simm.s32 $0x108;
	_ =	swait.ge @!p0 [sflag:s8], $0x0  }
0x24: {  	s3 =	sadd.s32 $0x88, s3;
	s6 =	simm.s32 @!p1 $0x1082;
	[sflag:s4] =	ssyncset.s32 $0xFFFFF086  }
0x25: {  	[simem:s6], [sflag:s4] =	dma.local [hbm:s3], $0xF7A  }
0x26: {  	[smem:$0x3F98] =	sst s1;
	(tag) =	ssettag s2;
	_ =	strace s9  }
0x27: {  	s1 =	sld [smem:$0x3FA8]  }
0x28: {  	s2 =	sld [smem:$0x3FA9]  }
0x29: {  	s4 =	sld [smem:$0x3FAB]  }
0x2a: {  	p0 =	seq.s32 s5, $0x0;
	s5 =	sld [smem:$0x3FAC]  }
0x2b: {  	s6 =	sld [smem:$0x3FAD]  }
0x2c: {  	s7 =	sld [smem:$0x3FAE]  }
0x2d: {  	s3 =	simm.s32 $0x108;
	s8 =	sld [smem:$0x3FAF]  }
0x2e: {  	s3 =	simm.s32 @!p0 $0x1082;
	s9 =	sld [smem:$0x3FB0]  }
0x2f: {  	lr =	sadd.s32 s0, s3;
	s0 =	sld [smem:$0x3FA7]  }
0x30: {  	s3 =	sld [smem:$0x3FAA]  }
0x31: {  	[smem:$0x3FB3] =	sst s10  }
0x32: {  	s10 =	sld [smem:$0x3FB1];
	_ =	sdelay $0x3  }
0x33: {  	p0 =	seq.s32 s10, $0x1;
	s10 =	sld [smem:$0x3FB3];
	_ =	sdelay $0x3  }
0x34: {  	[smem:$0x3FB3] =	sst s10  }
0x35: {  	s10 =	sld [smem:$0x3FB2];
	_ =	sdelay $0x3  }
0x36: {  	p1 =	seq.s32 s10, $0x1;
	s10 =	sld [smem:$0x3FB3];
	_ =	sdelay $0x3  }
0x37: {  	[smem:$0x3FB3] =	sst s10  }
0x38: {  	s10 =	sld [smem:$0x3FB4]  }
0x39: {  	_ = 	snop;
	(pc) =	sbr.ind lr, $3  }
0x3a: {  	_ = 	snop  }
0x3b: {  	_ = 	snop  }
0x3c: {  	p2 =	seq.s32 s10, $0x1;
	s10 =	sld [smem:$0x3FB3]  }
0x3d: {  	_ =	shalt  }
0x3e: {  	_ =	shalt  }
0x3f: {  	_ =	shalt  }
0x40: {  	_ =	shalt  }
0x41: {  	_ =	shalt  }
0x42: {  	_ =	shalt  }
0x43: {  	_ =	shalt  }
0x44: {  	_ =	shalt  }
0x45: {  	_ =	shalt  }
0x46: {  	_ =	shalt  }
0x47: {  	_ =	shalt  }
0x48: {  	_ =	shalt  }
0x49: {  	_ =	shalt  }
0x4a: {  	_ =	shalt  }
0x4b: {  	_ =	shalt  }
0x4c: {  	_ =	shalt  }
0x4d: {  	_ =	shalt  }
0x4e: {  	_ =	shalt  }
0x4f: {  	_ =	shalt  }
0x50: {  	_ =	shalt  }
0x51: {  	_ =	shalt  }
0x52: {  	_ =	shalt  }
0x53: {  	_ =	shalt  }
0x54: {  	_ =	shalt  }
0x55: {  	_ =	shalt  }
0x56: {  	_ =	shalt  }
0x57: {  	_ =	shalt  }
0x58: {  	_ =	shalt  }
0x59: {  	_ =	shalt  }
0x5a: {  	_ =	shalt  }
0x5b: {  	_ =	shalt  }
0x5c: {  	_ =	shalt  }
0x5d: {  	_ =	shalt  }
0x5e: {  	_ =	shalt  }
0x5f: {  	_ =	shalt  }
0x60: {  	_ =	shalt  }
0x61: {  	_ =	shalt  }
0x62: {  	_ =	shalt  }
0x63: {  	_ =	shalt  }
0x64: {  	_ =	shalt  }
0x65: {  	_ =	shalt  }
0x66: {  	_ =	shalt  }
0x67: {  	_ =	shalt  }
0x68: {  	_ =	shalt  }
0x69: {  	_ =	shalt  }
0x6a: {  	_ =	shalt  }
0x6b: {  	_ =	shalt  }
0x6c: {  	_ =	shalt  }
0x6d: {  	_ =	shalt  }
0x6e: {  	_ =	shalt  }
0x6f: {  	_ =	shalt  }
0x70: {  	_ =	shalt  }
0x71: {  	_ =	shalt  }
0x72: {  	_ =	shalt  }
0x73: {  	_ =	shalt  }
0x74: {  	_ =	shalt  }
0x75: {  	_ =	shalt  }
0x76: {  	_ =	shalt  }
0x77: {  	_ =	shalt  }
0x78: {  	_ =	shalt  }
0x79: {  	_ =	shalt  }
0x7a: {  	_ =	shalt  }
0x7b: {  	_ =	shalt  }
0x7c: {  	_ =	shalt  }
0x7d: {  	_ =	shalt  }
0x7e: {  	_ =	shalt  }
0x7f: {  	_ =	shalt  }
0x80: {  	_ =	shalt  }
0x81: {  	_ =	shalt  }
0x82: {  	_ =	shalt  }
0x83: {  	_ =	shalt  }
0x84: {  	_ =	shalt  }
0x85: {  	_ =	shalt  }
0x86: {  	_ =	shalt  }
0x87: {  	_ =	shalt  }
.Lfunc_end0:
.L_simem_size_0:
called_computation_lowered:
.L_overlay_start_0:
0x88: {  	s2 =	sld [smem:$0x3FD9]  }
0x89: {  	s3 =	sld [smem:$0x3FFE];
	_ =	sdelay $0x1  }
0x8a: {  	s1 =	srdreg.scid  }
0x8b: {  	s0 =	sand.u32 $0x1, s1  }
0x8c: {  	s14 =	sshll.u32 s0, $0xA;
	s2 =	sadd.s32 s3, s2  }
0x8d: {  	s2 =	sadd.s32 s2, s14  }
0x8e: {  	[smem:$0x3FBF] =	sst s2  }
0x8f: {  	_ = 	snop  }
0x90: {  	s2 =	sld [smem:$0x3FD0];
	_ =	sdelay $0x2  }
0x91: {  	s4 =	simm.s32 $0xA;
	s5 =	simm.s32 $0x10;
	s15 =	sld [smem:$0x3FC9]  }
0x92: {  	[smem:s5], [sflag:s4] =	dma.local [hbm:s2], $0x1  }
0x93: {  	_ =	swait.eq [sflag:s4], $0x1  }
0x94: {  	[sflag:s4] =	ssyncset.done $0x0  }
0x95: {  	[sflag:s4] =	ssyncadd.s32 $0xFFFFFFFF  }
0x96: {  	s16 =	sld [smem:$0x11];
	(tm) =	ssettm $0x1  }
0x97: {  	s17 =	sld [smem:$0x3FFB];
	_ =	sdelay $0x3  }
0x98: {  	_ =	strace s17  }
0x99: {  	s4 =	sld [smem:$0x3FFC];
	_ =	sdelay $0x3  }
0x9a: {  	_ =	strace s4  }
0x9b: {  	s4 =	sld [smem:$0x3FFD];
	_ =	sdelay $0x3  }
0x9c: {  	_ =	strace s4  }
0x9d: {  	_ =	strace $0x8FFFFFFF  }
0x9e: {  	s18 =	sld [smem:$0x3FDB];
	_ =	sdelay $0x1  }
0x9f: {  	s19 =	simm.s32 $_scs_section_size  }
0xa0: {  	s6 =	simm.s32 $_size__tile_overlayer_lowered;
	s7 =	simm.s32 $_tile_overlayer_lowered  }
0xa1: {  	s22 =	simm.s32 $0x1BFF;
	s21 =	sshll.u32 s7, $0x1;
	s4 =	sadd.s32 s19, s18  }
0xa2: {  	s8 =	simm.s32 $0x0;
	s20 =	sshll.u32 s6, $0x1;
	s6 =	sadd.s32 s21, s4  }
0xa3: {  	[timem:s8], [sflag:s22] =	dma.local [hbm:s6], s20  }
0xa4: {  	_ =	swait.ge [sflag:s22], s20  }
0xa5: {  	s5 =	ssub.s32 $0x0, s20;
	[sflag:s22] =	ssyncset.done $0x0  }
0xa6: {  	[sflag:s22] =	ssyncadd.s32 s5;
	_ =	sdelay $0x1  }
0xa7: {  	s23 =	simm.s32 $0x1B8B  }
0xa8: {  	_ =	swait.ge [sflag:s23], $0x1  }
0xa9: {  	[sflag:s23] =	ssyncset.done $0x0  }
0xaa: {  	s25 =	simm.s32 $0x1B8E;
	s24 =	sld [smem:$0x3FFE];
	[sflag:s23] =	ssyncadd.s32 $0xFFFFFFFF  }
0xab: {  	s26 =	simm.s32 $execute0_lowered;
	[smem:$0x3FD2] =	sst s25  }
0xac: {  	s6 =	sshll.u32 s26, $0x1;
	_ =	strace $0x80000046;
	[dreg:$0x1] =	wrdreg $0xFFFFFFFF  }
0xad: {  	s28 =	simm.s32 $_size_execute0_lowered;
	s4 =	sadd.s32 s4, s6;
	[dreg:$0x0] =	wrdreg $0x0  }
0xae: {  	s6 =	sshll.u32 s28, $0x1;
	[dreg:$0x2] =	wrdreg s4  }
0xaf: {  	[dreg:$0x3] =	wrdreg s6  }
0xb0: {  	[dreg:$0x4] =	wrdreg $0xC0  }
0xb1: {  	_ =	task [dreg:s8], $0x5FFFF  }
0xb2: {  	[dreg:$0x1] =	wrdreg $0xFFFFFFFF  }
0xb3: {  	[dreg:$0x0] =	wrdreg $0x60  }
0xb4: {  	[dreg:$0x2] =	wrdreg s15  }
0xb5: {  	[dreg:$0x3] =	wrdreg s16  }
0xb6: {  	[dreg:$0x4] =	wrdreg s24  }
0xb7: {  	[dreg:$0x5] =	wrdreg $0x0  }
0xb8: {  	[dreg:$0x6] =	wrdreg $0x9  }
0xb9: {  	_ =	task.clear_ibuf [dreg:s8], $0x7FFFF;
	_ =	strace $0x90000046  }
0xba: {  	s29 =	simm.s32 $0x9;
	_ =	strace $0x80000048  }
0xbb: {  	_ =	swait.ge [sflag:s29], $0x1  }
0xbc: {  	[sflag:s29] =	ssyncadd.s32 $0xFFFFFFFF  }
0xbd: {  	_ =	strace $0x90000048  }
0xbe: {  	_ =	sfence  }
0xbf: {  	s30 =	sld [smem:$0x0];
	_ =	sdelay $0x2  }
0xc0: {  	s31 =	sshll.u32 s1, $0xD;
	s1 =	sshrl.u32 s1, $0x2  }
0xc1: {  	s3 =	sand.u32 $0x4000, s31;
	s1 =	sadd.s32 s1, s30  }
0xc2: {  	s0 =	sor.u32 s3, s0;
	s1 =	sshll.u32 s1, $0x11  }
0xc3: {  	s0 =	sor.u32 s1, s0  }
0xc4: {  	s0 =	sadd.s32 $0x8F2B, s0  }
0xc5: {  	[sflag:s0] =	ssyncadd.remote.s32 $0x1  }
0xc6: {  	_ =	sfence.sel $0xFFFF  }
0xc7: {  	[dreg:$0x0] =	wrdreg $0xFFFFFFFF;
	(pc) =	sbr.abs _section_cstart, $3  }
0xc8: {  	[dreg:$0x1] =	wrdreg $0xFFFFFFFF  }
0xc9: {  	_ =	task.clear_ibuf [dreg:s8], $0x2FFFF;
	_ =	strace $0x9FFFFFFF  }
0xca: {  	(tm) =	ssettm $0x7FFFFFFF  }
0xcb: {  	_ =	shalt  }
tec
execute0_lowered:
.L_overlay_start_1:
0x0: {  	(tag) =	ssettag $0x1  }
0x1: {  	s0 =	rddreg [dreg:$0x0]  }
0x2: {  	s2 =	rddreg [dreg:$0x1]  }
0x3: {  	s5 =	rddreg [dreg:$0x2]  }
0x4: {  	s6 =	rddreg [dreg:$0x3];
	s1 =	simm.s32 $0x0  }
0x5: {  	s4 =	srdreg.scid;
	s13 =	stileid.u32;
	s28 =	simm.s32 $0x2  }
0x6: {  	s29 =	simm.s32 $0x100;
	s30 =	simm.s32 $0x180;
	s31 =	simm.s32 $0x200  }
0x7: {  	[smem:$0x7FF] =	sst s1;
	s7 =	sand.u32 $0x1, s4;
	s4 =	sadd.s32 $0xF43800, s5  }
0x8: {  	s3 =	sadd.s32 $0x1200, s5;
	s9 =	sadd.s32 $0x1E85E00, s5;
	s10 =	sshll.u32 s13, $0x9  }
0x9: {  	s11 =	sshll.u32 s13, $0x1;
	s12 =	sshll.u32 s13, $0x7;
	s20 =	sshll.u32 s13, $0x6  }
0xa: {  	_ =	strace $0x80000047;
	s8 =	ssub.s32 $0x2, s7;
	s10 =	sand.u32 $0x1000, s10  }
0xb: {  	s11 =	sor.u32 s7, s11;
	s17 =	sand.u32 $0x380, s12;
	s7 =	sor.u32 $0x1C02, s20  }
0xc: {  	s16 =	sshrl.u32 s8, $0x1;
	s6 =	sadd.s32 s10, s6;
	s18 =	smul.u32 $0x50000, s11  }
0xd: {  	s19 =	sshll.u32 s11, $0x6;
	s21 =	smul.u32 $0xA00, s11;
	s23 =	sshll.u32 s11, $0xD  }
0xe: {  	s8 =	ssub.s32 s8, s16;
	s5 =	sadd.s32 s17, s6;
	s0 =	sadd.s32 s0, s19  }
0xf: {  	s6 =	sadd.s32 s9, s23;
	[dreg:$0x5] =	wrdreg s0;
	s22 =	sshrl.u32 s18, $0x3  }
0x10: {  	s24 =	sshrl.u32 s21, $0x3;
	[dreg:$0x6] =	wrdreg s6;
	s19 =	smax.u32 s8, $0x1  }
0x11: {  	s20 =	sadd.s32 $0x400, s5;
	s21 =	sadd.s32 $0x800, s5;
	s23 =	sshrl.u32 s5, $0x3  }
0x12: {  	s0 =	sadd.s32 s9, s22;
	s9 =	sadd.s32 s2, s24;
	s22 =	sadd.s32 $0xC00, s5  }
0x13: {  	s24 =	simm.s32 $0x1;
	s25 =	sadd.s32 $0x40000, s0;
	s26 =	sadd.s32 $0x40, s9  }
0x14: {  	s12 =	sadd.s32 $0x42000, s0;
	s13 =	sadd.s32 $0x80, s9;
	s14 =	sadd.s32 $0x44000, s0  }
0x15: {  	s15 =	sadd.s32 $0xC0, s9;
	s16 =	sadd.s32 $0x46000, s0;
	s17 =	sadd.s32 $0x100, s9  }
0x16: {  	s18 =	sadd.s32 $0x48000, s0;
	s0 =	simm.s32 $0x0;
	[dreg:$0x7] =	wrdreg s25  }
0x17: {  	[dreg:$0x8] =	wrdreg s26;
	s25 =	simm.s32 $0x80;
	s26 =	simm.s32 $0x10  }
.LBB2_1:
0x18: {  	s2 =	rddreg [dreg:$0x5]  }
0x19: {  	[spmem:s23@s25], [sflag:s7] =	dma.strided [hbm:s2@s26], $0x40, s24, $0x10   }
0x1a: {  	_ =	swait.ge [sflag:s28], $0x40  }
0x1b: {  	[sflag:s28] =	ssyncset.done $0x0  }
0x1c: {  	[sflag:s28] =	ssyncadd.s32 $0xFFFFFFC0  }
0x1d: {  	[smem:s1], [sflag:$0x2] =	stream.linear.gather [spmem:s5], $0x80, $0x38;
	[tilespmem:$0x10200] =	vst v63  }
0x1e: {  	_ = 	snop  }
0x1f: {  	[smem:s25], [sflag:$0x2] =	stream.linear.gather [spmem:s20], $0x80, $0x38;
	[tilespmem:$0x10200] =	vst v63  }
0x20: {  	_ = 	snop  }
0x21: {  	[smem:s29], [sflag:$0x2] =	stream.linear.gather [spmem:s21], $0x80, $0x38;
	[tilespmem:$0x10200] =	vst v63  }
0x22: {  	_ = 	snop  }
0x23: {  	[smem:s30], [sflag:$0x2] =	stream.linear.gather [spmem:s22], $0x80, $0x38;
	[tilespmem:$0x10200] =	vst v63  }
0x24: {  	_ =	swait.ge [sflag:s28], $0x200  }
0x25: {  	[sflag:s28] =	ssyncset.done $0x0  }
0x26: {  	[sflag:s28] =	ssyncadd.s32 $0xFFFFFE00  }
0x27: {  	s11 =	sld [smem:$0x0];
	_ =	sdelay $0x2  }
0x28: {  	s2 =	sshll.u32 s11, $0x4  }
0x29: {  	s6 =	sand.u32 $0x1FFFFFF0, s2  }
0x2a: {  	s2 =	sld [smem:$0x1];
	s6 =	sadd.s32 s3, s6  }
0x2b: {  	[tilespmem:s31], [sflag:$0x1] =	stream.linear.gather [hbm4b:s6+s1], $0x80, $0x38;
	[tilespmem:$0x10200] =	vst v63  }
0x2c: {  	s8 =	simm.s32 $0x8;
	s6 =	simm.s32 $0x200  }
.LBB2_2:
0x2d: {  	p0 =	sne.s32 s8, $0x7FC  }
.Ltmp0:
0x2e: {  	_ = 	snop;
	(pc) =	sbr.rel @p0 .LBB2_2-.Ltmp0, $4  }
0x2f: {  	s11 =	sshll.u32 s2, $0x4  }
0x30: {  	s10 =	sshra.s32 s8, $0x2;
	s6 =	sadd.s32 $0x80, s6;
	s11 =	sand.u32 $0x1FFFFFF0, s11  }
0x31: {  	s8 =	sadd.s32 $0x4, s8;
	s2 =	sld [smem:s10+$0x0];
	s10 =	sadd.s32 s3, s11  }
0x32: {  	[tilespmem:s6], [sflag:$0x1] =	stream.linear.gather [hbm4b:s10+s1], $0x80, $0x38;
	[tilespmem:$0x10200] =	vst v63  }
0x33: {  	_ = 	snop  }
0x34: {  	s2 =	sshll.u32 s2, $0x4  }
0x35: {  	s2 =	sand.u32 $0x1FFFFFF0, s2  }
0x36: {  	s6 =	sadd.s32 $0x80, s6;
	s2 =	sadd.s32 s3, s2  }
0x37: {  	[tilespmem:s6], [sflag:$0x1] =	stream.linear.gather [hbm4b:s2+s1], $0x80, $0x38;
	[tilespmem:$0x10200] =	vst v63  }
0x38: {  	_ =	swait.ge [sflag:s24], $0x10000  }
0x39: {  	s11 =	simm.s32 $0x0;
	[sflag:s24] =	ssyncset.done $0x0  }
0x3a: {  	s2 =	simm.s32 $0x200;
	s8 =	rddreg [dreg:$0x6];
	[sflag:s24] =	ssyncadd.s32 $0xFFFF0000  }
0x3b: {  	[hbm4b:s8+s11] =	stream.linear.scatter [tilespmem:s2], [sflag:$0x2], $0x10000, $0x38;
	[tilespmem:$0x10200] =	vst v63  }
0x3c: {  	_ =	swait.ge [sflag:s28], $0x10000  }
0x3d: {  	[sflag:s28] =	ssyncset.done $0x0  }
0x3e: {  	[sflag:s28] =	ssyncadd.s32 $0xFFFF0000  }
0x3f: {  	[spmem:s23@s25], [sflag:s7] =	dma.strided [hbm:s9@s26], $0x40, s24, $0x10   }
0x40: {  	_ =	swait.ge [sflag:s28], $0x40  }
0x41: {  	[sflag:s28] =	ssyncset.done $0x0  }
0x42: {  	[sflag:s28] =	ssyncadd.s32 $0xFFFFFFC0  }
0x43: {  	[smem:s11], [sflag:$0x2] =	stream.linear.gather [spmem:s5], $0x80, $0x38;
	[tilespmem:$0x10200] =	vst v63  }
0x44: {  	_ = 	snop  }
0x45: {  	[smem:s25], [sflag:$0x2] =	stream.linear.gather [spmem:s20], $0x80, $0x38;
	[tilespmem:$0x10200] =	vst v63  }
0x46: {  	_ = 	snop  }
0x47: {  	[smem:s29], [sflag:$0x2] =	stream.linear.gather [spmem:s21], $0x80, $0x38;
	[tilespmem:$0x10200] =	vst v63  }
0x48: {  	_ = 	snop  }
0x49: {  	[smem:s30], [sflag:$0x2] =	stream.linear.gather [spmem:s22], $0x80, $0x38;
	[tilespmem:$0x10200] =	vst v63  }
0x4a: {  	_ =	swait.ge [sflag:s28], $0x200  }
0x4b: {  	[sflag:s28] =	ssyncset.done $0x0  }
0x4c: {  	[sflag:s28] =	ssyncadd.s32 $0xFFFFFE00  }
0x4d: {  	s10 =	sld [smem:$0x0];
	_ =	sdelay $0x2  }
0x4e: {  	s6 =	sshll.u32 s10, $0x4  }
0x4f: {  	s11 =	sand.u32 $0x1FFFFFF0, s6  }
0x50: {  	s6 =	sld [smem:$0x1];
	s8 =	sadd.s32 s4, s11  }
0x51: {  	[tilespmem:s2], [sflag:$0x1] =	stream.linear.gather [hbm4b:s8+s1], $0x80, $0x38;
	[tilespmem:$0x10200] =	vst v63  }
0x52: {  	s8 =	simm.s32 $0x8  }
.LBB2_4:
0x53: {  	p0 =	sne.s32 s8, $0x7FC  }
.Ltmp1:
0x54: {  	_ = 	snop;
	(pc) =	sbr.rel @p0 .LBB2_4-.Ltmp1, $4  }
0x55: {  	s11 =	sshll.u32 s6, $0x4  }
0x56: {  	s10 =	sshra.s32 s8, $0x2;
	s2 =	sadd.s32 $0x80, s2;
	s11 =	sand.u32 $0x1FFFFFF0, s11  }
0x57: {  	s8 =	sadd.s32 $0x4, s8;
	s6 =	sld [smem:s10+$0x0];
	s10 =	sadd.s32 s4, s11  }
0x58: {  	[tilespmem:s2], [sflag:$0x1] =	stream.linear.gather [hbm4b:s10+s1], $0x80, $0x38;
	[tilespmem:$0x10200] =	vst v63  }
0x59: {  	_ = 	snop  }
0x5a: {  	s6 =	sshll.u32 s6, $0x4  }
0x5b: {  	s6 =	sand.u32 $0x1FFFFFF0, s6  }
0x5c: {  	s2 =	sadd.s32 $0x80, s2;
	s6 =	sadd.s32 s4, s6  }
0x5d: {  	[tilespmem:s2], [sflag:$0x1] =	stream.linear.gather [hbm4b:s6+s1], $0x80, $0x38;
	[tilespmem:$0x10200] =	vst v63  }
0x5e: {  	_ =	swait.ge [sflag:s24], $0x10000  }
0x5f: {  	s10 =	simm.s32 $0x0;
	[sflag:s24] =	ssyncset.done $0x0  }
0x60: {  	s2 =	simm.s32 $0x200;
	s8 =	rddreg [dreg:$0x7];
	[sflag:s24] =	ssyncadd.s32 $0xFFFF0000  }
0x61: {  	[hbm4b:s8+s10] =	stream.linear.scatter [tilespmem:s2], [sflag:$0x2], $0x10000, $0x38;
	[tilespmem:$0x10200] =	vst v63  }
0x62: {  	_ =	swait.ge [sflag:s28], $0x10000  }
0x63: {  	[sflag:s28] =	ssyncset.done $0x0  }
0x64: {  	s11 =	rddreg [dreg:$0x8];
	[sflag:s28] =	ssyncadd.s32 $0xFFFF0000  }
0x65: {  	[spmem:s23@s25], [sflag:s7] =	dma.strided [hbm:s11@s26], $0x40, s24, $0x10   }
0x66: {  	_ =	swait.ge [sflag:s28], $0x40  }
0x67: {  	[sflag:s28] =	ssyncset.done $0x0  }
0x68: {  	[sflag:s28] =	ssyncadd.s32 $0xFFFFFFC0  }
0x69: {  	[smem:s10], [sflag:$0x2] =	stream.linear.gather [spmem:s5], $0x80, $0x38;
	[tilespmem:$0x10200] =	vst v63  }
0x6a: {  	_ = 	snop  }
0x6b: {  	[smem:s25], [sflag:$0x2] =	stream.linear.gather [spmem:s20], $0x80, $0x38;
	[tilespmem:$0x10200] =	vst v63  }
0x6c: {  	_ = 	snop  }
0x6d: {  	[smem:s29], [sflag:$0x2] =	stream.linear.gather [spmem:s21], $0x80, $0x38;
	[tilespmem:$0x10200] =	vst v63  }
0x6e: {  	_ = 	snop  }
0x6f: {  	[smem:s30], [sflag:$0x2] =	stream.linear.gather [spmem:s22], $0x80, $0x38;
	[tilespmem:$0x10200] =	vst v63  }
0x70: {  	_ =	swait.ge [sflag:s28], $0x200  }
0x71: {  	[sflag:s28] =	ssyncset.done $0x0  }
0x72: {  	[sflag:s28] =	ssyncadd.s32 $0xFFFFFE00  }
0x73: {  	s10 =	sld [smem:$0x0];
	_ =	sdelay $0x2  }
0x74: {  	s6 =	sshll.u32 s10, $0x4  }
0x75: {  	s11 =	sand.u32 $0x1FFFFFF0, s6  }
0x76: {  	s6 =	sld [smem:$0x1];
	s8 =	sadd.s32 s4, s11  }
0x77: {  	[tilespmem:s2], [sflag:$0x1] =	stream.linear.gather [hbm4b:s8+s1], $0x80, $0x38;
	[tilespmem:$0x10200] =	vst v63  }
0x78: {  	s8 =	simm.s32 $0x8  }
.LBB2_6:
0x79: {  	p0 =	sne.s32 s8, $0x7FC  }
.Ltmp2:
0x7a: {  	_ = 	snop;
	(pc) =	sbr.rel @p0 .LBB2_6-.Ltmp2, $4  }
0x7b: {  	s11 =	sshll.u32 s6, $0x4  }
0x7c: {  	s10 =	sshra.s32 s8, $0x2;
	s2 =	sadd.s32 $0x80, s2;
	s11 =	sand.u32 $0x1FFFFFF0, s11  }
0x7d: {  	s8 =	sadd.s32 $0x4, s8;
	s6 =	sld [smem:s10+$0x0];
	s10 =	sadd.s32 s4, s11  }
0x7e: {  	[tilespmem:s2], [sflag:$0x1] =	stream.linear.gather [hbm4b:s10+s1], $0x80, $0x38;
	[tilespmem:$0x10200] =	vst v63  }
0x7f: {  	_ = 	snop  }
0x80: {  	s6 =	sshll.u32 s6, $0x4  }
0x81: {  	s6 =	sand.u32 $0x1FFFFFF0, s6  }
0x82: {  	s2 =	sadd.s32 $0x80, s2;
	s6 =	sadd.s32 s4, s6  }
0x83: {  	[tilespmem:s2], [sflag:$0x1] =	stream.linear.gather [hbm4b:s6+s1], $0x80, $0x38;
	[tilespmem:$0x10200] =	vst v63  }
0x84: {  	_ =	swait.ge [sflag:s24], $0x10000  }
0x85: {  	[sflag:s24] =	ssyncset.done $0x0  }
0x86: {  	s10 =	simm.s32 $0x0;
	s2 =	simm.s32 $0x200;
	[sflag:s24] =	ssyncadd.s32 $0xFFFF0000  }
0x87: {  	[hbm4b:s12+s10] =	stream.linear.scatter [tilespmem:s2], [sflag:$0x2], $0x10000, $0x38;
	[tilespmem:$0x10200] =	vst v63  }
0x88: {  	_ =	swait.ge [sflag:s28], $0x10000  }
0x89: {  	[sflag:s28] =	ssyncset.done $0x0  }
0x8a: {  	[sflag:s28] =	ssyncadd.s32 $0xFFFF0000  }
0x8b: {  	[spmem:s23@s25], [sflag:s7] =	dma.strided [hbm:s13@s26], $0x40, s24, $0x10   }
0x8c: {  	_ =	swait.ge [sflag:s28], $0x40  }
0x8d: {  	[sflag:s28] =	ssyncset.done $0x0  }
0x8e: {  	[sflag:s28] =	ssyncadd.s32 $0xFFFFFFC0  }
0x8f: {  	[smem:s10], [sflag:$0x2] =	stream.linear.gather [spmem:s5], $0x80, $0x38;
	[tilespmem:$0x10200] =	vst v63  }
0x90: {  	_ = 	snop  }
0x91: {  	[smem:s25], [sflag:$0x2] =	stream.linear.gather [spmem:s20], $0x80, $0x38;
	[tilespmem:$0x10200] =	vst v63  }
0x92: {  	_ = 	snop  }
0x93: {  	[smem:s29], [sflag:$0x2] =	stream.linear.gather [spmem:s21], $0x80, $0x38;
	[tilespmem:$0x10200] =	vst v63  }
0x94: {  	_ = 	snop  }
0x95: {  	[smem:s30], [sflag:$0x2] =	stream.linear.gather [spmem:s22], $0x80, $0x38;
	[tilespmem:$0x10200] =	vst v63  }
0x96: {  	_ =	swait.ge [sflag:s28], $0x200  }
0x97: {  	[sflag:s28] =	ssyncset.done $0x0  }
0x98: {  	[sflag:s28] =	ssyncadd.s32 $0xFFFFFE00  }
0x99: {  	s11 =	sld [smem:$0x0];
	_ =	sdelay $0x2  }
0x9a: {  	s6 =	sshll.u32 s11, $0x4  }
0x9b: {  	s8 =	sand.u32 $0x1FFFFFF0, s6  }
0x9c: {  	s6 =	sld [smem:$0x1];
	s8 =	sadd.s32 s4, s8  }
0x9d: {  	[tilespmem:s2], [sflag:$0x1] =	stream.linear.gather [hbm4b:s8+s1], $0x80, $0x38;
	[tilespmem:$0x10200] =	vst v63  }
0x9e: {  	s8 =	simm.s32 $0x8  }
.LBB2_8:
0x9f: {  	p0 =	sne.s32 s8, $0x7FC  }
.Ltmp3:
0xa0: {  	_ = 	snop;
	(pc) =	sbr.rel @p0 .LBB2_8-.Ltmp3, $4  }
0xa1: {  	s11 =	sshll.u32 s6, $0x4  }
0xa2: {  	s10 =	sshra.s32 s8, $0x2;
	s2 =	sadd.s32 $0x80, s2;
	s11 =	sand.u32 $0x1FFFFFF0, s11  }
0xa3: {  	s8 =	sadd.s32 $0x4, s8;
	s6 =	sld [smem:s10+$0x0];
	s10 =	sadd.s32 s4, s11  }
0xa4: {  	[tilespmem:s2], [sflag:$0x1] =	stream.linear.gather [hbm4b:s10+s1], $0x80, $0x38;
	[tilespmem:$0x10200] =	vst v63  }
0xa5: {  	_ = 	snop  }
0xa6: {  	s6 =	sshll.u32 s6, $0x4  }
0xa7: {  	s6 =	sand.u32 $0x1FFFFFF0, s6  }
0xa8: {  	s2 =	sadd.s32 $0x80, s2;
	s6 =	sadd.s32 s4, s6  }
0xa9: {  	[tilespmem:s2], [sflag:$0x1] =	stream.linear.gather [hbm4b:s6+s1], $0x80, $0x38;
	[tilespmem:$0x10200] =	vst v63  }
0xaa: {  	_ =	swait.ge [sflag:s24], $0x10000  }
0xab: {  	[sflag:s24] =	ssyncset.done $0x0  }
0xac: {  	s10 =	simm.s32 $0x0;
	s2 =	simm.s32 $0x200;
	[sflag:s24] =	ssyncadd.s32 $0xFFFF0000  }
0xad: {  	[hbm4b:s14+s10] =	stream.linear.scatter [tilespmem:s2], [sflag:$0x2], $0x10000, $0x38;
	[tilespmem:$0x10200] =	vst v63  }
0xae: {  	_ =	swait.ge [sflag:s28], $0x10000  }
0xaf: {  	[sflag:s28] =	ssyncset.done $0x0  }
0xb0: {  	[sflag:s28] =	ssyncadd.s32 $0xFFFF0000  }
0xb1: {  	[spmem:s23@s25], [sflag:s7] =	dma.strided [hbm:s15@s26], $0x40, s24, $0x10   }
0xb2: {  	_ =	swait.ge [sflag:s28], $0x40  }
0xb3: {  	[sflag:s28] =	ssyncset.done $0x0  }
0xb4: {  	[sflag:s28] =	ssyncadd.s32 $0xFFFFFFC0  }
0xb5: {  	[smem:s10], [sflag:$0x2] =	stream.linear.gather [spmem:s5], $0x80, $0x38;
	[tilespmem:$0x10200] =	vst v63  }
0xb6: {  	_ = 	snop  }
0xb7: {  	[smem:s25], [sflag:$0x2] =	stream.linear.gather [spmem:s20], $0x80, $0x38;
	[tilespmem:$0x10200] =	vst v63  }
0xb8: {  	_ = 	snop  }
0xb9: {  	[smem:s29], [sflag:$0x2] =	stream.linear.gather [spmem:s21], $0x80, $0x38;
	[tilespmem:$0x10200] =	vst v63  }
0xba: {  	_ = 	snop  }
0xbb: {  	[smem:s30], [sflag:$0x2] =	stream.linear.gather [spmem:s22], $0x80, $0x38;
	[tilespmem:$0x10200] =	vst v63  }
0xbc: {  	_ =	swait.ge [sflag:s28], $0x200  }
0xbd: {  	[sflag:s28] =	ssyncset.done $0x0  }
0xbe: {  	[sflag:s28] =	ssyncadd.s32 $0xFFFFFE00  }
0xbf: {  	s11 =	sld [smem:$0x0];
	_ =	sdelay $0x2  }
0xc0: {  	s6 =	sshll.u32 s11, $0x4  }
0xc1: {  	s8 =	sand.u32 $0x1FFFFFF0, s6  }
0xc2: {  	s6 =	sld [smem:$0x1];
	s8 =	sadd.s32 s4, s8  }
0xc3: {  	[tilespmem:s2], [sflag:$0x1] =	stream.linear.gather [hbm4b:s8+s1], $0x80, $0x38;
	[tilespmem:$0x10200] =	vst v63  }
0xc4: {  	s8 =	simm.s32 $0x8  }
.LBB2_10:
0xc5: {  	p0 =	sne.s32 s8, $0x7FC  }
.Ltmp4:
0xc6: {  	_ = 	snop;
	(pc) =	sbr.rel @p0 .LBB2_10-.Ltmp4, $4  }
0xc7: {  	s11 =	sshll.u32 s6, $0x4  }
0xc8: {  	s10 =	sshra.s32 s8, $0x2;
	s2 =	sadd.s32 $0x80, s2;
	s11 =	sand.u32 $0x1FFFFFF0, s11  }
0xc9: {  	s8 =	sadd.s32 $0x4, s8;
	s6 =	sld [smem:s10+$0x0];
	s10 =	sadd.s32 s4, s11  }
0xca: {  	[tilespmem:s2], [sflag:$0x1] =	stream.linear.gather [hbm4b:s10+s1], $0x80, $0x38;
	[tilespmem:$0x10200] =	vst v63  }
0xcb: {  	_ = 	snop  }
0xcc: {  	s6 =	sshll.u32 s6, $0x4  }
0xcd: {  	s6 =	sand.u32 $0x1FFFFFF0, s6  }
0xce: {  	s2 =	sadd.s32 $0x80, s2;
	s6 =	sadd.s32 s4, s6  }
0xcf: {  	[tilespmem:s2], [sflag:$0x1] =	stream.linear.gather [hbm4b:s6+s1], $0x80, $0x38;
	[tilespmem:$0x10200] =	vst v63  }
0xd0: {  	_ =	swait.ge [sflag:s24], $0x10000  }
0xd1: {  	[sflag:s24] =	ssyncset.done $0x0  }
0xd2: {  	s10 =	simm.s32 $0x0;
	s2 =	simm.s32 $0x200;
	[sflag:s24] =	ssyncadd.s32 $0xFFFF0000  }
0xd3: {  	[hbm4b:s16+s10] =	stream.linear.scatter [tilespmem:s2], [sflag:$0x2], $0x10000, $0x38;
	[tilespmem:$0x10200] =	vst v63  }
0xd4: {  	_ =	swait.ge [sflag:s28], $0x10000  }
0xd5: {  	[sflag:s28] =	ssyncset.done $0x0  }
0xd6: {  	[sflag:s28] =	ssyncadd.s32 $0xFFFF0000  }
0xd7: {  	[spmem:s23@s25], [sflag:s7] =	dma.strided [hbm:s17@s26], $0x40, s24, $0x10   }
0xd8: {  	_ =	swait.ge [sflag:s28], $0x40  }
0xd9: {  	[sflag:s28] =	ssyncset.done $0x0  }
0xda: {  	[sflag:s28] =	ssyncadd.s32 $0xFFFFFFC0  }
0xdb: {  	[smem:s10], [sflag:$0x2] =	stream.linear.gather [spmem:s5], $0x80, $0x38;
	[tilespmem:$0x10200] =	vst v63  }
0xdc: {  	_ = 	snop  }
0xdd: {  	[smem:s25], [sflag:$0x2] =	stream.linear.gather [spmem:s20], $0x80, $0x38;
	[tilespmem:$0x10200] =	vst v63  }
0xde: {  	_ = 	snop  }
0xdf: {  	[smem:s29], [sflag:$0x2] =	stream.linear.gather [spmem:s21], $0x80, $0x38;
	[tilespmem:$0x10200] =	vst v63  }
0xe0: {  	_ = 	snop  }
0xe1: {  	[smem:s30], [sflag:$0x2] =	stream.linear.gather [spmem:s22], $0x80, $0x38;
	[tilespmem:$0x10200] =	vst v63  }
0xe2: {  	_ =	swait.ge [sflag:s28], $0x200  }
0xe3: {  	[sflag:s28] =	ssyncset.done $0x0  }
0xe4: {  	[sflag:s28] =	ssyncadd.s32 $0xFFFFFE00  }
0xe5: {  	s11 =	sld [smem:$0x0];
	_ =	sdelay $0x2  }
0xe6: {  	s6 =	sshll.u32 s11, $0x4  }
0xe7: {  	s8 =	sand.u32 $0x1FFFFFF0, s6  }
0xe8: {  	s6 =	sld [smem:$0x1];
	s8 =	sadd.s32 s4, s8  }
0xe9: {  	[tilespmem:s2], [sflag:$0x1] =	stream.linear.gather [hbm4b:s8+s1], $0x80, $0x38;
	[tilespmem:$0x10200] =	vst v63  }
0xea: {  	s8 =	simm.s32 $0x8  }
.LBB2_12:
0xeb: {  	p0 =	sne.s32 s8, $0x7FC  }
.Ltmp5:
0xec: {  	_ = 	snop;
	(pc) =	sbr.rel @p0 .LBB2_12-.Ltmp5, $4  }
0xed: {  	s11 =	sshll.u32 s6, $0x4  }
0xee: {  	s10 =	sshra.s32 s8, $0x2;
	s2 =	sadd.s32 $0x80, s2;
	s11 =	sand.u32 $0x1FFFFFF0, s11  }
0xef: {  	s8 =	sadd.s32 $0x4, s8;
	s6 =	sld [smem:s10+$0x0];
	s10 =	sadd.s32 s4, s11  }
0xf0: {  	[tilespmem:s2], [sflag:$0x1] =	stream.linear.gather [hbm4b:s10+s1], $0x80, $0x38;
	[tilespmem:$0x10200] =	vst v63  }
0xf1: {  	_ = 	snop  }
0xf2: {  	s6 =	sshll.u32 s6, $0x4  }
0xf3: {  	s6 =	sand.u32 $0x1FFFFFF0, s6  }
0xf4: {  	s2 =	sadd.s32 $0x80, s2;
	s6 =	sadd.s32 s4, s6  }
0xf5: {  	[tilespmem:s2], [sflag:$0x1] =	stream.linear.gather [hbm4b:s6+s1], $0x80, $0x38;
	[tilespmem:$0x10200] =	vst v63  }
0xf6: {  	s0 =	sadd.s32 $0x1, s0;
	_ =	swait.ge [sflag:s24], $0x10000  }
0xf7: {  	p0 =	sne.s32 s0, s19;
	[sflag:s24] =	ssyncset.done $0x0  }
.Ltmp6:
0xf8: {  	[sflag:s24] =	ssyncadd.s32 $0xFFFF0000;
	(pc) =	sbr.rel @p0 .LBB2_1-.Ltmp6, $4  }
0xf9: {  	[hbm4b:s18+s1] =	stream.linear.scatter [tilespmem:s31], [sflag:$0x2], $0x10000, $0x38;
	[tilespmem:$0x10200] =	vst v63  }
0xfa: {  	_ =	swait.ge [sflag:s28], $0x10000  }
0xfb: {  	[sflag:s28] =	ssyncset.done $0x0  }
0xfc: {  	[sflag:s28] =	ssyncadd.s32 $0xFFFF0000  }
0xfd: {  	_ =	sfence.sel $0x180000  }
0xfe: {  	[bflag:$0x0] =	sbarrier.arrive $0xFFFF  }
0xff: {  	_ =	strace $0x90000047  }
0x100: {  	s0 =	stileid.u32;
	[bflag:$0x2] =	sbarrier.arrive $0xFFFF  }
0x101: {  	p0 =	sne.s32 s0, $0x0;
	s0 =	rddreg [dreg:$0x4]  }
0x102: {  	s0 =	sadd.s32 @!p0 $0x100000, s0  }
0x103: {  	[sflag:s0] =	ssyncadd.tile.s32 @!p0 $0x1;
	_ =	shalt  }
.Lfunc_end2:
_tile_overlayer_lowered:
.L_overlay_start_2:
0x104: {  	(tag) =	ssettag $0x2  }
0x105: {  	s0 =	rddreg [dreg:$0x0];
	s2 =	stileid.u32  }
0x106: {  	s1 =	rddreg [dreg:$0x1];
	p0 =	sne.s32 s2, $0x0  }
0x107: {  	s3 =	rddreg [dreg:$0x2];
	[bflag:$0x3] =	sbarrier.arrive $0xFFFF;
	s2 =	simm.s32 @!p0 $0x1C02  }
0x108: {  	[timem:s3], [sflag:s2] =	dma.local @!p0 [hbm:s0], s1  }
0x109: {  	s0 =	simm.s32 @!p0 $0x2  }
0x10a: {  	_ =	swait.ge @!p0 [sflag:s0], s1  }
0x10b: {  	s1 =	ssub.s32 @!p0 $0x0, s1;
	[sflag:s0] =	ssyncset.done @!p0 $0x0  }
0x10c: {  	[sflag:s0] =	ssyncadd.s32 @!p0 s1  }
0x10d: {  	[bflag:$0x3] =	sbarrier.arrive $0xFFFF  }
0x10e: {  	_ =	shalt  }

</sc_bundles>
